<compile_context>
chip_gen: v7x
topology: tpu7x:2x2x1
jax: 0.10.2.dev20260603
libtpu: 0.0.44.dev20260713+nightly
codegen_flags: <defaults>
</compile_context>

<pallas_src>
import jax
import jax.numpy as jnp
from jax.experimental import pallas as pl

B = 4096
HID = 256
DIM = 512
MAXN = 25
NP = 24
KH = 140
DH = 384
BB = 256


def _decoder_kernel(z_ref, kW1_ref, kb1_ref, kW2_ref, kb2_ref,
                    dW1_ref, db1_ref, dW2_ref, db2_ref,
                    sW1_ref, sb1_ref, sW2_ref, sb2_ref,
                    x_ref, nl_ref, n_ref):
    z = z_ref[...]

    sh = jnp.maximum(jnp.dot(z, sW1_ref[...],
                             preferred_element_type=jnp.float32)
                     + sb1_ref[...], 0.0)
    nl = jnp.dot(sh, sW2_ref[...],
                 preferred_element_type=jnp.float32) + sb2_ref[...]
    nl_ref[...] = nl
    mx = jnp.max(nl, axis=1, keepdims=True)
    iota = jax.lax.broadcasted_iota(jnp.int32, (BB, MAXN), 1)
    n = jnp.min(jnp.where(nl == mx, iota, MAXN), axis=1, keepdims=True)
    n_ref[...] = n

    key_out = jnp.dot(jnp.maximum(kW1_ref[...] + kb1_ref[...], 0.0),
                      kW2_ref[...],
                      preferred_element_type=jnp.float32) + kb2_ref[...]

    dW1 = dW1_ref[...]
    db1 = db1_ref[...]
    dW2 = dW2_ref[...]
    db2 = db2_ref[...]

    for p in range(NP):
        zp = (z * key_out[p, :][None, :]).astype(jnp.bfloat16)
        h = jnp.maximum(jnp.dot(zp, dW1,
                                preferred_element_type=jnp.float32)
                        + db1, 0.0)
        x = jnp.dot(h.astype(jnp.bfloat16), dW2,
                    preferred_element_type=jnp.float32) + db2
        keep = (n > p).astype(jnp.float32)
        x_ref[:, p * DIM:(p + 1) * DIM] = (x * keep).astype(jnp.bfloat16)


def kernel(z, kW1, kb1, kW2, kb2, dW1, db1, dW2, db2, sW1, sb1, sW2, sb2):
    full2 = lambda i: (0, 0)
    x2d, nl, n2 = pl.pallas_call(
        _decoder_kernel,
        grid=(B // BB,),
        in_specs=[
            pl.BlockSpec((BB, HID), lambda i: (i, 0)),
            pl.BlockSpec((MAXN, KH), full2),
            pl.BlockSpec((1, KH), full2),
            pl.BlockSpec((KH, HID), full2),
            pl.BlockSpec((1, HID), full2),
            pl.BlockSpec((HID, DH), full2),
            pl.BlockSpec((1, DH), full2),
            pl.BlockSpec((DH, DIM), full2),
            pl.BlockSpec((1, DIM), full2),
            pl.BlockSpec((HID, KH), full2),
            pl.BlockSpec((1, KH), full2),
            pl.BlockSpec((KH, MAXN), full2),
            pl.BlockSpec((1, MAXN), full2),
        ],
        out_specs=[
            pl.BlockSpec((BB, NP * DIM), lambda i: (i, 0)),
            pl.BlockSpec((BB, MAXN), lambda i: (i, 0)),
            pl.BlockSpec((BB, 1), lambda i: (i, 0)),
        ],
        out_shape=[
            jax.ShapeDtypeStruct((B, NP * DIM), jnp.bfloat16),
            jax.ShapeDtypeStruct((B, MAXN), jnp.float32),
            jax.ShapeDtypeStruct((B, 1), jnp.int32),
        ],
    )(z, kW1, kb1.reshape(1, KH), kW2, kb2.reshape(1, HID),
      dW1.astype(jnp.bfloat16), db1.reshape(1, DH),
      dW2.astype(jnp.bfloat16), db2.reshape(1, DIM),
      sW1, sb1.reshape(1, KH), sW2, sb2.reshape(1, MAXN))
    x = jnp.pad(x2d.reshape(B, NP, DIM).astype(jnp.float32),
                ((0, 0), (0, 1), (0, 0)))
    return x, nl, n2.reshape(B)

# --- scband reference (transcript-rebuilt; emitter-appended) ---
"""Pipeline reference for scband-decoder-62740882260639 (READ-ONLY COPY).

The authoritative reference and input builder live on the scoring server;
editing this copy changes nothing except your own understanding.
"""

import jax, jax.numpy as jnp
import numpy as np

B = 4096
HID = 256      # hidden_dim
DIM = 512      # output dim
MAXN = 25      # max_n + 1


def _mlp_params(key, din, dout):
    # 2-layer MLP (nlayers=2, midmult=1.0): hidden size = (din+dout)//2
    h = (din + dout) // 2
    k1, k2 = jax.random.split(key)
    W1 = jax.random.normal(k1, (din, h), dtype=jnp.float32) / np.sqrt(din)
    b1 = jnp.zeros((h,), dtype=jnp.float32)
    W2 = jax.random.normal(k2, (h, dout), dtype=jnp.float32) / np.sqrt(h)
    b2 = jnp.zeros((dout,), dtype=jnp.float32)
    return W1, b1, W2, b2


def setup_inputs(seed: int = 0) -> dict:
    key = jax.random.key(seed)
    kz, kk, kd, ks = jax.random.split(key, 4)
    z = jax.random.normal(kz, (B, HID), dtype=jnp.float32)
    kW1, kb1, kW2, kb2 = _mlp_params(kk, MAXN, HID)   # key_net: max_n -> hidden_dim
    dW1, db1, dW2, db2 = _mlp_params(kd, HID, DIM)     # decoder: hidden_dim -> dim
    sW1, sb1, sW2, sb2 = _mlp_params(ks, HID, MAXN)    # size_pred: hidden_dim -> max_n
    return {
        'z': z,
        'kW1': kW1, 'kb1': kb1, 'kW2': kW2, 'kb2': kb2,
        'dW1': dW1, 'db1': db1, 'dW2': dW2, 'db2': db2,
        'sW1': sW1, 'sb1': sb1, 'sW2': sW2, 'sb2': sb2,
    }


def _mlp(x, W1, b1, W2, b2):
    return jnp.maximum(x @ W1 + b1, 0.0) @ W2 + b2


def reference(z, kW1, kb1, kW2, kb2, dW1, db1, dW2, db2, sW1, sb1, sW2, sb2):
    # size_pred -> per-item predicted length n via argmax over onehot logits
    n_logits = _mlp(z, sW1, sb1, sW2, sb2)                 # [B, MAXN]
    n = jnp.argmax(n_logits, axis=-1)                       # [B]
    # pos_gen onehot keys for positions 0..MAXN-1 (shared across batch;
    # the torch nested_tensor of arange(ni) onehots is the first n_i rows of this)
    pos = jnp.eye(MAXN, dtype=jnp.float32)                  # [MAXN, MAXN]
    key_out = _mlp(pos, kW1, kb1, kW2, kb2)                 # [MAXN, HID]
    # mul_nested: z[b] broadcast-multiplied with each key row of item b
    zp = z[:, None, :] * key_out[None, :, :]                # [B, MAXN, HID]
    x = _mlp(zp, dW1, db1, dW2, db2)                        # [B, MAXN, DIM]
    # ragged -> padded-with-mask: zero out positions >= n_i (padded equivalent of nested tensor)
    mask = jnp.arange(MAXN)[None, :] < n[:, None]           # [B, MAXN]
    x = x * mask[:, :, None].astype(x.dtype)
    return x, n_logits, n

if __name__ == "__main__":
    import jax
    _d = setup_inputs()
    print(jax.jit(kernel)(*tuple(_d.values())))

</pallas_src>

<mosaic_0001>
module attributes {stable_mosaic.version = 14 : i64} {
  func.func @_decoder_kernel(%arg0: i32, %arg1: memref<256x256xf32, #tpu.memory_space<vmem>>, %arg2: memref<25x140xf32, #tpu.memory_space<vmem>>, %arg3: memref<1x140xf32, #tpu.memory_space<vmem>>, %arg4: memref<140x256xf32, #tpu.memory_space<vmem>>, %arg5: memref<1x256xf32, #tpu.memory_space<vmem>>, %arg6: memref<256x384xbf16, #tpu.memory_space<vmem>>, %arg7: memref<1x384xf32, #tpu.memory_space<vmem>>, %arg8: memref<384x512xbf16, #tpu.memory_space<vmem>>, %arg9: memref<1x512xf32, #tpu.memory_space<vmem>>, %arg10: memref<256x140xf32, #tpu.memory_space<vmem>>, %arg11: memref<1x140xf32, #tpu.memory_space<vmem>>, %arg12: memref<140x25xf32, #tpu.memory_space<vmem>>, %arg13: memref<1x25xf32, #tpu.memory_space<vmem>>, %arg14: memref<256x12288xbf16, #tpu.memory_space<vmem>>, %arg15: memref<256x25xf32, #tpu.memory_space<vmem>>, %arg16: memref<256x1xi32, #tpu.memory_space<vmem>>) attributes {dimension_semantics = [#tpu.dimension_semantics<arbitrary>], iteration_bounds = array<i64: 16>, scalar_prefetch = 0 : i64, scratch_operands = 0 : i64, tpu.core_type = #tpu.core_type<tc>, window_params = [{transform_indices = @transform_0, window_bounds = array<i64: 256, 256>}, {pipeline_mode = #tpu.pipeline_mode<synchronous>, transform_indices = @transform_1, window_bounds = array<i64: 25, 140>}, {pipeline_mode = #tpu.pipeline_mode<synchronous>, transform_indices = @transform_2, window_bounds = array<i64: 1, 140>}, {pipeline_mode = #tpu.pipeline_mode<synchronous>, transform_indices = @transform_3, window_bounds = array<i64: 140, 256>}, {pipeline_mode = #tpu.pipeline_mode<synchronous>, transform_indices = @transform_4, window_bounds = array<i64: 1, 256>}, {pipeline_mode = #tpu.pipeline_mode<synchronous>, transform_indices = @transform_5, window_bounds = array<i64: 256, 384>}, {pipeline_mode = #tpu.pipeline_mode<synchronous>, transform_indices = @transform_6, window_bounds = array<i64: 1, 384>}, {pipeline_mode = #tpu.pipeline_mode<synchronous>, transform_indices = @transform_7, window_bounds = array<i64: 384, 512>}, {pipeline_mode = #tpu.pipeline_mode<synchronous>, transform_indices = @transform_8, window_bounds = array<i64: 1, 512>}, {pipeline_mode = #tpu.pipeline_mode<synchronous>, transform_indices = @transform_9, window_bounds = array<i64: 256, 140>}, {pipeline_mode = #tpu.pipeline_mode<synchronous>, transform_indices = @transform_10, window_bounds = array<i64: 1, 140>}, {pipeline_mode = #tpu.pipeline_mode<synchronous>, transform_indices = @transform_11, window_bounds = array<i64: 140, 25>}, {pipeline_mode = #tpu.pipeline_mode<synchronous>, transform_indices = @transform_12, window_bounds = array<i64: 1, 25>}, {transform_indices = @transform_13, window_bounds = array<i64: 256, 12288>}, {transform_indices = @transform_14, window_bounds = array<i64: 256, 25>}, {transform_indices = @transform_15, window_bounds = array<i64: 256, 1>}]} {
    %get3A = arith.constant 0 : index
    %get3A_0 = arith.constant 0 : index
    %get3A_1 = vector.load %arg1[%get3A, %get3A_0] : memref<256x256xf32, #tpu.memory_space<vmem>>, vector<256x256xf32>
    %get3A_2 = arith.constant 0 : index
    %get3A_3 = arith.constant 0 : index
    %get3A_4 = vector.load %arg10[%get3A_2, %get3A_3] : memref<256x140xf32, #tpu.memory_space<vmem>>, vector<256x140xf32>
    %dot_general3A = arith.constant dense<0.000000e+00> : vector<256x140xf32>
    %dot_general3A_5 = tpu.matmul %get3A_1, %get3A_4, %dot_general3A {dimension_numbers = #tpu.dot_dimension_numbers<[1], [0], [0], [1], [0, 0, 1, 1], [], []>, transpose_lhs_hint = false} : vector<256x256xf32>, vector<256x140xf32>, vector<256x140xf32> -> vector<256x140xf32>
    %get3A_6 = arith.constant 0 : index
    %get3A_7 = arith.constant 0 : index
    %get3A_8 = vector.load %arg11[%get3A_6, %get3A_7] : memref<1x140xf32, #tpu.memory_space<vmem>>, vector<1x140xf32>
    %add3A = vector.broadcast %get3A_8 : vector<1x140xf32> to vector<256x140xf32>
    %add3A_9 = arith.addf %dot_general3A_5, %add3A : vector<256x140xf32>
    %max3A = arith.constant 0.000000e+00 : f32
    %max3A_10 = vector.broadcast %max3A : f32 to vector<256x140xf32>
    %max3A_11 = arith.maximumf %add3A_9, %max3A_10 : vector<256x140xf32>
    %get3A_12 = arith.constant 0 : index
    %get3A_13 = arith.constant 0 : index
    %get3A_14 = vector.load %arg12[%get3A_12, %get3A_13] : memref<140x25xf32, #tpu.memory_space<vmem>>, vector<140x25xf32>
    %dot_general3A_15 = arith.constant dense<0.000000e+00> : vector<256x25xf32>
    %dot_general3A_16 = tpu.matmul %max3A_11, %get3A_14, %dot_general3A_15 {dimension_numbers = #tpu.dot_dimension_numbers<[1], [0], [0], [1], [0, 0, 1, 1], [], []>, transpose_lhs_hint = false} : vector<256x140xf32>, vector<140x25xf32>, vector<256x25xf32> -> vector<256x25xf32>
    %get3A_17 = arith.constant 0 : index
    %get3A_18 = arith.constant 0 : index
    %get3A_19 = vector.load %arg13[%get3A_17, %get3A_18] : memref<1x25xf32, #tpu.memory_space<vmem>>, vector<1x25xf32>
    %add3A_20 = vector.broadcast %get3A_19 : vector<1x25xf32> to vector<256x25xf32>
    %add3A_21 = arith.addf %dot_general3A_16, %add3A_20 : vector<256x25xf32>
    %swap3A = arith.constant 0 : index
    %swap3A_22 = arith.constant 0 : index
    %swap3A_23 = vector.load %arg15[%swap3A, %swap3A_22] : memref<256x25xf32, #tpu.memory_space<vmem>>, vector<256x25xf32>
    tpu.vector_store %arg15[%swap3A, %swap3A_22], %add3A_21 {strides = array<i32>} : memref<256x25xf32, #tpu.memory_space<vmem>>, vector<256x25xf32>,
    %reduce_max3A = arith.constant dense<0xFF800000> : vector<256xf32>
    %reduce_max3A_24 = vector.multi_reduction <maximumf>, %add3A_21, %reduce_max3A [1] : vector<256x25xf32> to vector<256xf32>
    %broadcast_in_dim3A = vector.shape_cast %reduce_max3A_24 : vector<256xf32> to vector<256x1xf32>
    %iota3A = tpu.iota {dimensions = array<i32: 1>} : vector<256x25xi32>
    %eq3A = vector.broadcast %broadcast_in_dim3A : vector<256x1xf32> to vector<256x25xf32>
    %eq3A_25 = arith.cmpf oeq, %add3A_21, %eq3A : vector<256x25xf32>
    %jit3A = arith.constant 25 : i32
    %broadcast_in_dim3A_26 = vector.broadcast %jit3A : i32 to vector<256x25xi32>
    %select_n3A = arith.select %eq3A_25, %iota3A, %broadcast_in_dim3A_26 : vector<256x25xi1>, vector<256x25xi32>
    %reduce_min3A = arith.constant dense<2147483647> : vector<256xi32>
    %reduce_min3A_27 = vector.multi_reduction <minsi>, %select_n3A, %reduce_min3A [1] : vector<256x25xi32> to vector<256xi32>
    %broadcast_in_dim3A_28 = vector.shape_cast %reduce_min3A_27 : vector<256xi32> to vector<256x1xi32>
    %swap3A_29 = arith.constant 0 : index
    %swap3A_30 = arith.constant 0 : index
    %swap3A_31 = vector.load %arg16[%swap3A_29, %swap3A_30] : memref<256x1xi32, #tpu.memory_space<vmem>>, vector<256x1xi32>
    tpu.vector_store %arg16[%swap3A_29, %swap3A_30], %broadcast_in_dim3A_28 {strides = array<i32>} : memref<256x1xi32, #tpu.memory_space<vmem>>, vector<256x1xi32>,
    %get3A_32 = arith.constant 0 : index
    %get3A_33 = arith.constant 0 : index
    %get3A_34 = vector.load %arg2[%get3A_32, %get3A_33] : memref<25x140xf32, #tpu.memory_space<vmem>>, vector<25x140xf32>
    %get3A_35 = arith.constant 0 : index
    %get3A_36 = arith.constant 0 : index
    %get3A_37 = vector.load %arg3[%get3A_35, %get3A_36] : memref<1x140xf32, #tpu.memory_space<vmem>>, vector<1x140xf32>
    %add3A_38 = vector.broadcast %get3A_37 : vector<1x140xf32> to vector<25x140xf32>
    %add3A_39 = arith.addf %get3A_34, %add3A_38 : vector<25x140xf32>
    %max3A_40 = arith.constant 0.000000e+00 : f32
    %max3A_41 = vector.broadcast %max3A_40 : f32 to vector<25x140xf32>
    %max3A_42 = arith.maximumf %add3A_39, %max3A_41 : vector<25x140xf32>
    %get3A_43 = arith.constant 0 : index
    %get3A_44 = arith.constant 0 : index
    %get3A_45 = vector.load %arg4[%get3A_43, %get3A_44] : memref<140x256xf32, #tpu.memory_space<vmem>>, vector<140x256xf32>
    %dot_general3A_46 = arith.constant dense<0.000000e+00> : vector<25x256xf32>
    %dot_general3A_47 = tpu.matmul %max3A_42, %get3A_45, %dot_general3A_46 {dimension_numbers = #tpu.dot_dimension_numbers<[1], [0], [0], [1], [0, 0, 1, 1], [], []>, transpose_lhs_hint = false} : vector<25x140xf32>, vector<140x256xf32>, vector<25x256xf32> -> vector<25x256xf32>
    %get3A_48 = arith.constant 0 : index
    %get3A_49 = arith.constant 0 : index
    %get3A_50 = vector.load %arg5[%get3A_48, %get3A_49] : memref<1x256xf32, #tpu.memory_space<vmem>>, vector<1x256xf32>
    %add3A_51 = vector.broadcast %get3A_50 : vector<1x256xf32> to vector<25x256xf32>
    %add3A_52 = arith.addf %dot_general3A_47, %add3A_51 : vector<25x256xf32>
    %get3A_53 = arith.constant 0 : index
    %get3A_54 = arith.constant 0 : index
    %get3A_55 = vector.load %arg6[%get3A_53, %get3A_54] : memref<256x384xbf16, #tpu.memory_space<vmem>>, vector<256x384xbf16>
    %get3A_56 = arith.constant 0 : index
    %get3A_57 = arith.constant 0 : index
    %get3A_58 = vector.load %arg7[%get3A_56, %get3A_57] : memref<1x384xf32, #tpu.memory_space<vmem>>, vector<1x384xf32>
    %get3A_59 = arith.constant 0 : index
    %get3A_60 = arith.constant 0 : index
    %get3A_61 = vector.load %arg8[%get3A_59, %get3A_60] : memref<384x512xbf16, #tpu.memory_space<vmem>>, vector<384x512xbf16>
    %get3A_62 = arith.constant 0 : index
    %get3A_63 = arith.constant 0 : index
    %get3A_64 = vector.load %arg9[%get3A_62, %get3A_63] : memref<1x512xf32, #tpu.memory_space<vmem>>, vector<1x512xf32>
    %slice3A = vector.extract_strided_slice %add3A_52 {offsets = [0, 0], sizes = [1, 256], strides = [1, 1]} : vector<25x256xf32> to vector<1x256xf32>
    %squeeze3A = vector.shape_cast %slice3A : vector<1x256xf32> to vector<256xf32>
    %broadcast_in_dim3A_65 = vector.shape_cast %squeeze3A : vector<256xf32> to vector<1x256xf32>
    %mul3A = vector.broadcast %broadcast_in_dim3A_65 : vector<1x256xf32> to vector<256x256xf32>
    %mul3A_66 = arith.mulf %get3A_1, %mul3A : vector<256x256xf32>
    %convert_element_type3A = arith.truncf %mul3A_66 : vector<256x256xf32> to vector<256x256xbf16>
    %dot_general3A_67 = arith.constant dense<0.000000e+00> : vector<256x384xf32>
    %dot_general3A_68 = tpu.matmul %convert_element_type3A, %get3A_55, %dot_general3A_67 {dimension_numbers = #tpu.dot_dimension_numbers<[1], [0], [0], [1], [0, 0, 1, 1], [], []>, transpose_lhs_hint = false} : vector<256x256xbf16>, vector<256x384xbf16>, vector<256x384xf32> -> vector<256x384xf32>
    %add3A_69 = vector.broadcast %get3A_58 : vector<1x384xf32> to vector<256x384xf32>
    %add3A_70 = arith.addf %dot_general3A_68, %add3A_69 : vector<256x384xf32>
    %max3A_71 = arith.constant 0.000000e+00 : f32
    %max3A_72 = vector.broadcast %max3A_71 : f32 to vector<256x384xf32>
    %max3A_73 = arith.maximumf %add3A_70, %max3A_72 : vector<256x384xf32>
    %convert_element_type3A_74 = arith.truncf %max3A_73 : vector<256x384xf32> to vector<256x384xbf16>
    %dot_general3A_75 = arith.constant dense<0.000000e+00> : vector<256x512xf32>
    %dot_general3A_76 = tpu.matmul %convert_element_type3A_74, %get3A_61, %dot_general3A_75 {dimension_numbers = #tpu.dot_dimension_numbers<[1], [0], [0], [1], [0, 0, 1, 1], [], []>, transpose_lhs_hint = false} : vector<256x384xbf16>, vector<384x512xbf16>, vector<256x512xf32> -> vector<256x512xf32>
    %add3A_77 = vector.broadcast %get3A_64 : vector<1x512xf32> to vector<256x512xf32>
    %add3A_78 = arith.addf %dot_general3A_76, %add3A_77 : vector<256x512xf32>
    %gt3A = arith.constant 0 : i32
    %gt3A_79 = vector.broadcast %gt3A : i32 to vector<256x1xi32>
    %gt3A_80 = arith.cmpi sgt, %broadcast_in_dim3A_28, %gt3A_79 : vector<256x1xi32>
    %convert_element_type3A_81 = arith.extui %gt3A_80 : vector<256x1xi1> to vector<256x1xi32>
    %convert_element_type3A_82 = arith.sitofp %convert_element_type3A_81 : vector<256x1xi32> to vector<256x1xf32>
    %mul3A_83 = vector.broadcast %convert_element_type3A_82 : vector<256x1xf32> to vector<256x512xf32>
    %mul3A_84 = arith.mulf %add3A_78, %mul3A_83 : vector<256x512xf32>
    %convert_element_type3A_85 = arith.truncf %mul3A_84 : vector<256x512xf32> to vector<256x512xbf16>
    %swap3A_86 = arith.constant 0 : index
    %swap3A_87 = arith.constant 0 : index
    %swap3A_88 = vector.load %arg14[%swap3A_86, %swap3A_87] : memref<256x12288xbf16, #tpu.memory_space<vmem>>, vector<256x512xbf16>
    tpu.vector_store %arg14[%swap3A_86, %swap3A_87], %convert_element_type3A_85 {strides = array<i32>} : memref<256x12288xbf16, #tpu.memory_space<vmem>>, vector<256x512xbf16>,
    %slice3A_89 = vector.extract_strided_slice %add3A_52 {offsets = [1, 0], sizes = [1, 256], strides = [1, 1]} : vector<25x256xf32> to vector<1x256xf32>
    %squeeze3A_90 = vector.shape_cast %slice3A_89 : vector<1x256xf32> to vector<256xf32>
    %broadcast_in_dim3A_91 = vector.shape_cast %squeeze3A_90 : vector<256xf32> to vector<1x256xf32>
    %mul3A_92 = vector.broadcast %broadcast_in_dim3A_91 : vector<1x256xf32> to vector<256x256xf32>
    %mul3A_93 = arith.mulf %get3A_1, %mul3A_92 : vector<256x256xf32>
    %convert_element_type3A_94 = arith.truncf %mul3A_93 : vector<256x256xf32> to vector<256x256xbf16>
    %dot_general3A_95 = arith.constant dense<0.000000e+00> : vector<256x384xf32>
    %dot_general3A_96 = tpu.matmul %convert_element_type3A_94, %get3A_55, %dot_general3A_95 {dimension_numbers = #tpu.dot_dimension_numbers<[1], [0], [0], [1], [0, 0, 1, 1], [], []>, transpose_lhs_hint = false} : vector<256x256xbf16>, vector<256x384xbf16>, vector<256x384xf32> -> vector<256x384xf32>
    %add3A_97 = vector.broadcast %get3A_58 : vector<1x384xf32> to vector<256x384xf32>
    %add3A_98 = arith.addf %dot_general3A_96, %add3A_97 : vector<256x384xf32>
    %max3A_99 = arith.constant 0.000000e+00 : f32
    %max3A_100 = vector.broadcast %max3A_99 : f32 to vector<256x384xf32>
    %max3A_101 = arith.maximumf %add3A_98, %max3A_100 : vector<256x384xf32>
    %convert_element_type3A_102 = arith.truncf %max3A_101 : vector<256x384xf32> to vector<256x384xbf16>
    %dot_general3A_103 = arith.constant dense<0.000000e+00> : vector<256x512xf32>
    %dot_general3A_104 = tpu.matmul %convert_element_type3A_102, %get3A_61, %dot_general3A_103 {dimension_numbers = #tpu.dot_dimension_numbers<[1], [0], [0], [1], [0, 0, 1, 1], [], []>, transpose_lhs_hint = false} : vector<256x384xbf16>, vector<384x512xbf16>, vector<256x512xf32> -> vector<256x512xf32>
    %add3A_105 = vector.broadcast %get3A_64 : vector<1x512xf32> to vector<256x512xf32>
    %add3A_106 = arith.addf %dot_general3A_104, %add3A_105 : vector<256x512xf32>
    %gt3A_107 = arith.constant 1 : i32
    %gt3A_108 = vector.broadcast %gt3A_107 : i32 to vector<256x1xi32>
    %gt3A_109 = arith.cmpi sgt, %broadcast_in_dim3A_28, %gt3A_108 : vector<256x1xi32>
    %convert_element_type3A_110 = arith.extui %gt3A_109 : vector<256x1xi1> to vector<256x1xi32>
    %convert_element_type3A_111 = arith.sitofp %convert_element_type3A_110 : vector<256x1xi32> to vector<256x1xf32>
    %mul3A_112 = vector.broadcast %convert_element_type3A_111 : vector<256x1xf32> to vector<256x512xf32>
    %mul3A_113 = arith.mulf %add3A_106, %mul3A_112 : vector<256x512xf32>
    %convert_element_type3A_114 = arith.truncf %mul3A_113 : vector<256x512xf32> to vector<256x512xbf16>
    %swap3A_115 = arith.constant 0 : index
    %swap3A_116 = arith.constant 512 : index
    %swap3A_117 = vector.load %arg14[%swap3A_115, %swap3A_116] : memref<256x12288xbf16, #tpu.memory_space<vmem>>, vector<256x512xbf16>
    tpu.vector_store %arg14[%swap3A_115, %swap3A_116], %convert_element_type3A_114 {strides = array<i32>} : memref<256x12288xbf16, #tpu.memory_space<vmem>>, vector<256x512xbf16>,
    %slice3A_118 = vector.extract_strided_slice %add3A_52 {offsets = [2, 0], sizes = [1, 256], strides = [1, 1]} : vector<25x256xf32> to vector<1x256xf32>
    %squeeze3A_119 = vector.shape_cast %slice3A_118 : vector<1x256xf32> to vector<256xf32>
    %broadcast_in_dim3A_120 = vector.shape_cast %squeeze3A_119 : vector<256xf32> to vector<1x256xf32>
    %mul3A_121 = vector.broadcast %broadcast_in_dim3A_120 : vector<1x256xf32> to vector<256x256xf32>
    %mul3A_122 = arith.mulf %get3A_1, %mul3A_121 : vector<256x256xf32>
    %convert_element_type3A_123 = arith.truncf %mul3A_122 : vector<256x256xf32> to vector<256x256xbf16>
    %dot_general3A_124 = arith.constant dense<0.000000e+00> : vector<256x384xf32>
    %dot_general3A_125 = tpu.matmul %convert_element_type3A_123, %get3A_55, %dot_general3A_124 {dimension_numbers = #tpu.dot_dimension_numbers<[1], [0], [0], [1], [0, 0, 1, 1], [], []>, transpose_lhs_hint = false} : vector<256x256xbf16>, vector<256x384xbf16>, vector<256x384xf32> -> vector<256x384xf32>
    %add3A_126 = vector.broadcast %get3A_58 : vector<1x384xf32> to vector<256x384xf32>
    %add3A_127 = arith.addf %dot_general3A_125, %add3A_126 : vector<256x384xf32>
    %max3A_128 = arith.constant 0.000000e+00 : f32
    %max3A_129 = vector.broadcast %max3A_128 : f32 to vector<256x384xf32>
    %max3A_130 = arith.maximumf %add3A_127, %max3A_129 : vector<256x384xf32>
    %convert_element_type3A_131 = arith.truncf %max3A_130 : vector<256x384xf32> to vector<256x384xbf16>
    %dot_general3A_132 = arith.constant dense<0.000000e+00> : vector<256x512xf32>
    %dot_general3A_133 = tpu.matmul %convert_element_type3A_131, %get3A_61, %dot_general3A_132 {dimension_numbers = #tpu.dot_dimension_numbers<[1], [0], [0], [1], [0, 0, 1, 1], [], []>, transpose_lhs_hint = false} : vector<256x384xbf16>, vector<384x512xbf16>, vector<256x512xf32> -> vector<256x512xf32>
    %add3A_134 = vector.broadcast %get3A_64 : vector<1x512xf32> to vector<256x512xf32>
    %add3A_135 = arith.addf %dot_general3A_133, %add3A_134 : vector<256x512xf32>
    %gt3A_136 = arith.constant 2 : i32
    %gt3A_137 = vector.broadcast %gt3A_136 : i32 to vector<256x1xi32>
    %gt3A_138 = arith.cmpi sgt, %broadcast_in_dim3A_28, %gt3A_137 : vector<256x1xi32>
    %convert_element_type3A_139 = arith.extui %gt3A_138 : vector<256x1xi1> to vector<256x1xi32>
    %convert_element_type3A_140 = arith.sitofp %convert_element_type3A_139 : vector<256x1xi32> to vector<256x1xf32>
    %mul3A_141 = vector.broadcast %convert_element_type3A_140 : vector<256x1xf32> to vector<256x512xf32>
    %mul3A_142 = arith.mulf %add3A_135, %mul3A_141 : vector<256x512xf32>
    %convert_element_type3A_143 = arith.truncf %mul3A_142 : vector<256x512xf32> to vector<256x512xbf16>
    %swap3A_144 = arith.constant 0 : index
    %swap3A_145 = arith.constant 1024 : index
    %swap3A_146 = vector.load %arg14[%swap3A_144, %swap3A_145] : memref<256x12288xbf16, #tpu.memory_space<vmem>>, vector<256x512xbf16>
    tpu.vector_store %arg14[%swap3A_144, %swap3A_145], %convert_element_type3A_143 {strides = array<i32>} : memref<256x12288xbf16, #tpu.memory_space<vmem>>, vector<256x512xbf16>,
    %slice3A_147 = vector.extract_strided_slice %add3A_52 {offsets = [3, 0], sizes = [1, 256], strides = [1, 1]} : vector<25x256xf32> to vector<1x256xf32>
    %squeeze3A_148 = vector.shape_cast %slice3A_147 : vector<1x256xf32> to vector<256xf32>
    %broadcast_in_dim3A_149 = vector.shape_cast %squeeze3A_148 : vector<256xf32> to vector<1x256xf32>
    %mul3A_150 = vector.broadcast %broadcast_in_dim3A_149 : vector<1x256xf32> to vector<256x256xf32>
    %mul3A_151 = arith.mulf %get3A_1, %mul3A_150 : vector<256x256xf32>
    %convert_element_type3A_152 = arith.truncf %mul3A_151 : vector<256x256xf32> to vector<256x256xbf16>
    %dot_general3A_153 = arith.constant dense<0.000000e+00> : vector<256x384xf32>
    %dot_general3A_154 = tpu.matmul %convert_element_type3A_152, %get3A_55, %dot_general3A_153 {dimension_numbers = #tpu.dot_dimension_numbers<[1], [0], [0], [1], [0, 0, 1, 1], [], []>, transpose_lhs_hint = false} : vector<256x256xbf16>, vector<256x384xbf16>, vector<256x384xf32> -> vector<256x384xf32>
    %add3A_155 = vector.broadcast %get3A_58 : vector<1x384xf32> to vector<256x384xf32>
    %add3A_156 = arith.addf %dot_general3A_154, %add3A_155 : vector<256x384xf32>
    %max3A_157 = arith.constant 0.000000e+00 : f32
    %max3A_158 = vector.broadcast %max3A_157 : f32 to vector<256x384xf32>
    %max3A_159 = arith.maximumf %add3A_156, %max3A_158 : vector<256x384xf32>
    %convert_element_type3A_160 = arith.truncf %max3A_159 : vector<256x384xf32> to vector<256x384xbf16>
    %dot_general3A_161 = arith.constant dense<0.000000e+00> : vector<256x512xf32>
    %dot_general3A_162 = tpu.matmul %convert_element_type3A_160, %get3A_61, %dot_general3A_161 {dimension_numbers = #tpu.dot_dimension_numbers<[1], [0], [0], [1], [0, 0, 1, 1], [], []>, transpose_lhs_hint = false} : vector<256x384xbf16>, vector<384x512xbf16>, vector<256x512xf32> -> vector<256x512xf32>
    %add3A_163 = vector.broadcast %get3A_64 : vector<1x512xf32> to vector<256x512xf32>
    %add3A_164 = arith.addf %dot_general3A_162, %add3A_163 : vector<256x512xf32>
    %gt3A_165 = arith.constant 3 : i32
    %gt3A_166 = vector.broadcast %gt3A_165 : i32 to vector<256x1xi32>
    %gt3A_167 = arith.cmpi sgt, %broadcast_in_dim3A_28, %gt3A_166 : vector<256x1xi32>
    %convert_element_type3A_168 = arith.extui %gt3A_167 : vector<256x1xi1> to vector<256x1xi32>
    %convert_element_type3A_169 = arith.sitofp %convert_element_type3A_168 : vector<256x1xi32> to vector<256x1xf32>
    %mul3A_170 = vector.broadcast %convert_element_type3A_169 : vector<256x1xf32> to vector<256x512xf32>
    %mul3A_171 = arith.mulf %add3A_164, %mul3A_170 : vector<256x512xf32>
    %convert_element_type3A_172 = arith.truncf %mul3A_171 : vector<256x512xf32> to vector<256x512xbf16>
    %swap3A_173 = arith.constant 0 : index
    %swap3A_174 = arith.constant 1536 : index
    %swap3A_175 = vector.load %arg14[%swap3A_173, %swap3A_174] : memref<256x12288xbf16, #tpu.memory_space<vmem>>, vector<256x512xbf16>
    tpu.vector_store %arg14[%swap3A_173, %swap3A_174], %convert_element_type3A_172 {strides = array<i32>} : memref<256x12288xbf16, #tpu.memory_space<vmem>>, vector<256x512xbf16>,
    %slice3A_176 = vector.extract_strided_slice %add3A_52 {offsets = [4, 0], sizes = [1, 256], strides = [1, 1]} : vector<25x256xf32> to vector<1x256xf32>
    %squeeze3A_177 = vector.shape_cast %slice3A_176 : vector<1x256xf32> to vector<256xf32>
    %broadcast_in_dim3A_178 = vector.shape_cast %squeeze3A_177 : vector<256xf32> to vector<1x256xf32>
    %mul3A_179 = vector.broadcast %broadcast_in_dim3A_178 : vector<1x256xf32> to vector<256x256xf32>
    %mul3A_180 = arith.mulf %get3A_1, %mul3A_179 : vector<256x256xf32>
    %convert_element_type3A_181 = arith.truncf %mul3A_180 : vector<256x256xf32> to vector<256x256xbf16>
    %dot_general3A_182 = arith.constant dense<0.000000e+00> : vector<256x384xf32>
    %dot_general3A_183 = tpu.matmul %convert_element_type3A_181, %get3A_55, %dot_general3A_182 {dimension_numbers = #tpu.dot_dimension_numbers<[1], [0], [0], [1], [0, 0, 1, 1], [], []>, transpose_lhs_hint = false} : vector<256x256xbf16>, vector<256x384xbf16>, vector<256x384xf32> -> vector<256x384xf32>
    %add3A_184 = vector.broadcast %get3A_58 : vector<1x384xf32> to vector<256x384xf32>
    %add3A_185 = arith.addf %dot_general3A_183, %add3A_184 : vector<256x384xf32>
    %max3A_186 = arith.constant 0.000000e+00 : f32
    %max3A_187 = vector.broadcast %max3A_186 : f32 to vector<256x384xf32>
    %max3A_188 = arith.maximumf %add3A_185, %max3A_187 : vector<256x384xf32>
    %convert_element_type3A_189 = arith.truncf %max3A_188 : vector<256x384xf32> to vector<256x384xbf16>
    %dot_general3A_190 = arith.constant dense<0.000000e+00> : vector<256x512xf32>
    %dot_general3A_191 = tpu.matmul %convert_element_type3A_189, %get3A_61, %dot_general3A_190 {dimension_numbers = #tpu.dot_dimension_numbers<[1], [0], [0], [1], [0, 0, 1, 1], [], []>, transpose_lhs_hint = false} : vector<256x384xbf16>, vector<384x512xbf16>, vector<256x512xf32> -> vector<256x512xf32>
    %add3A_192 = vector.broadcast %get3A_64 : vector<1x512xf32> to vector<256x512xf32>
    %add3A_193 = arith.addf %dot_general3A_191, %add3A_192 : vector<256x512xf32>
    %gt3A_194 = arith.constant 4 : i32
    %gt3A_195 = vector.broadcast %gt3A_194 : i32 to vector<256x1xi32>
    %gt3A_196 = arith.cmpi sgt, %broadcast_in_dim3A_28, %gt3A_195 : vector<256x1xi32>
    %convert_element_type3A_197 = arith.extui %gt3A_196 : vector<256x1xi1> to vector<256x1xi32>
    %convert_element_type3A_198 = arith.sitofp %convert_element_type3A_197 : vector<256x1xi32> to vector<256x1xf32>
    %mul3A_199 = vector.broadcast %convert_element_type3A_198 : vector<256x1xf32> to vector<256x512xf32>
    %mul3A_200 = arith.mulf %add3A_193, %mul3A_199 : vector<256x512xf32>
    %convert_element_type3A_201 = arith.truncf %mul3A_200 : vector<256x512xf32> to vector<256x512xbf16>
    %swap3A_202 = arith.constant 0 : index
    %swap3A_203 = arith.constant 2048 : index
    %swap3A_204 = vector.load %arg14[%swap3A_202, %swap3A_203] : memref<256x12288xbf16, #tpu.memory_space<vmem>>, vector<256x512xbf16>
    tpu.vector_store %arg14[%swap3A_202, %swap3A_203], %convert_element_type3A_201 {strides = array<i32>} : memref<256x12288xbf16, #tpu.memory_space<vmem>>, vector<256x512xbf16>,
    %slice3A_205 = vector.extract_strided_slice %add3A_52 {offsets = [5, 0], sizes = [1, 256], strides = [1, 1]} : vector<25x256xf32> to vector<1x256xf32>
    %squeeze3A_206 = vector.shape_cast %slice3A_205 : vector<1x256xf32> to vector<256xf32>
    %broadcast_in_dim3A_207 = vector.shape_cast %squeeze3A_206 : vector<256xf32> to vector<1x256xf32>
    %mul3A_208 = vector.broadcast %broadcast_in_dim3A_207 : vector<1x256xf32> to vector<256x256xf32>
    %mul3A_209 = arith.mulf %get3A_1, %mul3A_208 : vector<256x256xf32>
    %convert_element_type3A_210 = arith.truncf %mul3A_209 : vector<256x256xf32> to vector<256x256xbf16>
    %dot_general3A_211 = arith.constant dense<0.000000e+00> : vector<256x384xf32>
    %dot_general3A_212 = tpu.matmul %convert_element_type3A_210, %get3A_55, %dot_general3A_211 {dimension_numbers = #tpu.dot_dimension_numbers<[1], [0], [0], [1], [0, 0, 1, 1], [], []>, transpose_lhs_hint = false} : vector<256x256xbf16>, vector<256x384xbf16>, vector<256x384xf32> -> vector<256x384xf32>
    %add3A_213 = vector.broadcast %get3A_58 : vector<1x384xf32> to vector<256x384xf32>
    %add3A_214 = arith.addf %dot_general3A_212, %add3A_213 : vector<256x384xf32>
    %max3A_215 = arith.constant 0.000000e+00 : f32
    %max3A_216 = vector.broadcast %max3A_215 : f32 to vector<256x384xf32>
    %max3A_217 = arith.maximumf %add3A_214, %max3A_216 : vector<256x384xf32>
    %convert_element_type3A_218 = arith.truncf %max3A_217 : vector<256x384xf32> to vector<256x384xbf16>
    %dot_general3A_219 = arith.constant dense<0.000000e+00> : vector<256x512xf32>
    %dot_general3A_220 = tpu.matmul %convert_element_type3A_218, %get3A_61, %dot_general3A_219 {dimension_numbers = #tpu.dot_dimension_numbers<[1], [0], [0], [1], [0, 0, 1, 1], [], []>, transpose_lhs_hint = false} : vector<256x384xbf16>, vector<384x512xbf16>, vector<256x512xf32> -> vector<256x512xf32>
    %add3A_221 = vector.broadcast %get3A_64 : vector<1x512xf32> to vector<256x512xf32>
    %add3A_222 = arith.addf %dot_general3A_220, %add3A_221 : vector<256x512xf32>
    %gt3A_223 = arith.constant 5 : i32
    %gt3A_224 = vector.broadcast %gt3A_223 : i32 to vector<256x1xi32>
    %gt3A_225 = arith.cmpi sgt, %broadcast_in_dim3A_28, %gt3A_224 : vector<256x1xi32>
    %convert_element_type3A_226 = arith.extui %gt3A_225 : vector<256x1xi1> to vector<256x1xi32>
    %convert_element_type3A_227 = arith.sitofp %convert_element_type3A_226 : vector<256x1xi32> to vector<256x1xf32>
    %mul3A_228 = vector.broadcast %convert_element_type3A_227 : vector<256x1xf32> to vector<256x512xf32>
    %mul3A_229 = arith.mulf %add3A_222, %mul3A_228 : vector<256x512xf32>
    %convert_element_type3A_230 = arith.truncf %mul3A_229 : vector<256x512xf32> to vector<256x512xbf16>
    %swap3A_231 = arith.constant 0 : index
    %swap3A_232 = arith.constant 2560 : index
    %swap3A_233 = vector.load %arg14[%swap3A_231, %swap3A_232] : memref<256x12288xbf16, #tpu.memory_space<vmem>>, vector<256x512xbf16>
    tpu.vector_store %arg14[%swap3A_231, %swap3A_232], %convert_element_type3A_230 {strides = array<i32>} : memref<256x12288xbf16, #tpu.memory_space<vmem>>, vector<256x512xbf16>,
    %slice3A_234 = vector.extract_strided_slice %add3A_52 {offsets = [6, 0], sizes = [1, 256], strides = [1, 1]} : vector<25x256xf32> to vector<1x256xf32>
    %squeeze3A_235 = vector.shape_cast %slice3A_234 : vector<1x256xf32> to vector<256xf32>
    %broadcast_in_dim3A_236 = vector.shape_cast %squeeze3A_235 : vector<256xf32> to vector<1x256xf32>
    %mul3A_237 = vector.broadcast %broadcast_in_dim3A_236 : vector<1x256xf32> to vector<256x256xf32>
    %mul3A_238 = arith.mulf %get3A_1, %mul3A_237 : vector<256x256xf32>
    %convert_element_type3A_239 = arith.truncf %mul3A_238 : vector<256x256xf32> to vector<256x256xbf16>
    %dot_general3A_240 = arith.constant dense<0.000000e+00> : vector<256x384xf32>
    %dot_general3A_241 = tpu.matmul %convert_element_type3A_239, %get3A_55, %dot_general3A_240 {dimension_numbers = #tpu.dot_dimension_numbers<[1], [0], [0], [1], [0, 0, 1, 1], [], []>, transpose_lhs_hint = false} : vector<256x256xbf16>, vector<256x384xbf16>, vector<256x384xf32> -> vector<256x384xf32>
    %add3A_242 = vector.broadcast %get3A_58 : vector<1x384xf32> to vector<256x384xf32>
    %add3A_243 = arith.addf %dot_general3A_241, %add3A_242 : vector<256x384xf32>
    %max3A_244 = arith.constant 0.000000e+00 : f32
    %max3A_245 = vector.broadcast %max3A_244 : f32 to vector<256x384xf32>
    %max3A_246 = arith.maximumf %add3A_243, %max3A_245 : vector<256x384xf32>
    %convert_element_type3A_247 = arith.truncf %max3A_246 : vector<256x384xf32> to vector<256x384xbf16>
    %dot_general3A_248 = arith.constant dense<0.000000e+00> : vector<256x512xf32>
    %dot_general3A_249 = tpu.matmul %convert_element_type3A_247, %get3A_61, %dot_general3A_248 {dimension_numbers = #tpu.dot_dimension_numbers<[1], [0], [0], [1], [0, 0, 1, 1], [], []>, transpose_lhs_hint = false} : vector<256x384xbf16>, vector<384x512xbf16>, vector<256x512xf32> -> vector<256x512xf32>
    %add3A_250 = vector.broadcast %get3A_64 : vector<1x512xf32> to vector<256x512xf32>
    %add3A_251 = arith.addf %dot_general3A_249, %add3A_250 : vector<256x512xf32>
    %gt3A_252 = arith.constant 6 : i32
    %gt3A_253 = vector.broadcast %gt3A_252 : i32 to vector<256x1xi32>
    %gt3A_254 = arith.cmpi sgt, %broadcast_in_dim3A_28, %gt3A_253 : vector<256x1xi32>
    %convert_element_type3A_255 = arith.extui %gt3A_254 : vector<256x1xi1> to vector<256x1xi32>
    %convert_element_type3A_256 = arith.sitofp %convert_element_type3A_255 : vector<256x1xi32> to vector<256x1xf32>
    %mul3A_257 = vector.broadcast %convert_element_type3A_256 : vector<256x1xf32> to vector<256x512xf32>
    %mul3A_258 = arith.mulf %add3A_251, %mul3A_257 : vector<256x512xf32>
    %convert_element_type3A_259 = arith.truncf %mul3A_258 : vector<256x512xf32> to vector<256x512xbf16>
    %swap3A_260 = arith.constant 0 : index
    %swap3A_261 = arith.constant 3072 : index
    %swap3A_262 = vector.load %arg14[%swap3A_260, %swap3A_261] : memref<256x12288xbf16, #tpu.memory_space<vmem>>, vector<256x512xbf16>
    tpu.vector_store %arg14[%swap3A_260, %swap3A_261], %convert_element_type3A_259 {strides = array<i32>} : memref<256x12288xbf16, #tpu.memory_space<vmem>>, vector<256x512xbf16>,
    %slice3A_263 = vector.extract_strided_slice %add3A_52 {offsets = [7, 0], sizes = [1, 256], strides = [1, 1]} : vector<25x256xf32> to vector<1x256xf32>
    %squeeze3A_264 = vector.shape_cast %slice3A_263 : vector<1x256xf32> to vector<256xf32>
    %broadcast_in_dim3A_265 = vector.shape_cast %squeeze3A_264 : vector<256xf32> to vector<1x256xf32>
    %mul3A_266 = vector.broadcast %broadcast_in_dim3A_265 : vector<1x256xf32> to vector<256x256xf32>
    %mul3A_267 = arith.mulf %get3A_1, %mul3A_266 : vector<256x256xf32>
    %convert_element_type3A_268 = arith.truncf %mul3A_267 : vector<256x256xf32> to vector<256x256xbf16>
    %dot_general3A_269 = arith.constant dense<0.000000e+00> : vector<256x384xf32>
    %dot_general3A_270 = tpu.matmul %convert_element_type3A_268, %get3A_55, %dot_general3A_269 {dimension_numbers = #tpu.dot_dimension_numbers<[1], [0], [0], [1], [0, 0, 1, 1], [], []>, transpose_lhs_hint = false} : vector<256x256xbf16>, vector<256x384xbf16>, vector<256x384xf32> -> vector<256x384xf32>
    %add3A_271 = vector.broadcast %get3A_58 : vector<1x384xf32> to vector<256x384xf32>
    %add3A_272 = arith.addf %dot_general3A_270, %add3A_271 : vector<256x384xf32>
    %max3A_273 = arith.constant 0.000000e+00 : f32
    %max3A_274 = vector.broadcast %max3A_273 : f32 to vector<256x384xf32>
    %max3A_275 = arith.maximumf %add3A_272, %max3A_274 : vector<256x384xf32>
    %convert_element_type3A_276 = arith.truncf %max3A_275 : vector<256x384xf32> to vector<256x384xbf16>
    %dot_general3A_277 = arith.constant dense<0.000000e+00> : vector<256x512xf32>
    %dot_general3A_278 = tpu.matmul %convert_element_type3A_276, %get3A_61, %dot_general3A_277 {dimension_numbers = #tpu.dot_dimension_numbers<[1], [0], [0], [1], [0, 0, 1, 1], [], []>, transpose_lhs_hint = false} : vector<256x384xbf16>, vector<384x512xbf16>, vector<256x512xf32> -> vector<256x512xf32>
    %add3A_279 = vector.broadcast %get3A_64 : vector<1x512xf32> to vector<256x512xf32>
    %add3A_280 = arith.addf %dot_general3A_278, %add3A_279 : vector<256x512xf32>
    %gt3A_281 = arith.constant 7 : i32
    %gt3A_282 = vector.broadcast %gt3A_281 : i32 to vector<256x1xi32>
    %gt3A_283 = arith.cmpi sgt, %broadcast_in_dim3A_28, %gt3A_282 : vector<256x1xi32>
    %convert_element_type3A_284 = arith.extui %gt3A_283 : vector<256x1xi1> to vector<256x1xi32>
    %convert_element_type3A_285 = arith.sitofp %convert_element_type3A_284 : vector<256x1xi32> to vector<256x1xf32>
    %mul3A_286 = vector.broadcast %convert_element_type3A_285 : vector<256x1xf32> to vector<256x512xf32>
    %mul3A_287 = arith.mulf %add3A_280, %mul3A_286 : vector<256x512xf32>
    %convert_element_type3A_288 = arith.truncf %mul3A_287 : vector<256x512xf32> to vector<256x512xbf16>
    %swap3A_289 = arith.constant 0 : index
    %swap3A_290 = arith.constant 3584 : index
    %swap3A_291 = vector.load %arg14[%swap3A_289, %swap3A_290] : memref<256x12288xbf16, #tpu.memory_space<vmem>>, vector<256x512xbf16>
    tpu.vector_store %arg14[%swap3A_289, %swap3A_290], %convert_element_type3A_288 {strides = array<i32>} : memref<256x12288xbf16, #tpu.memory_space<vmem>>, vector<256x512xbf16>,
    %slice3A_292 = vector.extract_strided_slice %add3A_52 {offsets = [8, 0], sizes = [1, 256], strides = [1, 1]} : vector<25x256xf32> to vector<1x256xf32>
    %squeeze3A_293 = vector.shape_cast %slice3A_292 : vector<1x256xf32> to vector<256xf32>
    %broadcast_in_dim3A_294 = vector.shape_cast %squeeze3A_293 : vector<256xf32> to vector<1x256xf32>
    %mul3A_295 = vector.broadcast %broadcast_in_dim3A_294 : vector<1x256xf32> to vector<256x256xf32>
    %mul3A_296 = arith.mulf %get3A_1, %mul3A_295 : vector<256x256xf32>
    %convert_element_type3A_297 = arith.truncf %mul3A_296 : vector<256x256xf32> to vector<256x256xbf16>
    %dot_general3A_298 = arith.constant dense<0.000000e+00> : vector<256x384xf32>
    %dot_general3A_299 = tpu.matmul %convert_element_type3A_297, %get3A_55, %dot_general3A_298 {dimension_numbers = #tpu.dot_dimension_numbers<[1], [0], [0], [1], [0, 0, 1, 1], [], []>, transpose_lhs_hint = false} : vector<256x256xbf16>, vector<256x384xbf16>, vector<256x384xf32> -> vector<256x384xf32>
    %add3A_300 = vector.broadcast %get3A_58 : vector<1x384xf32> to vector<256x384xf32>
    %add3A_301 = arith.addf %dot_general3A_299, %add3A_300 : vector<256x384xf32>
    %max3A_302 = arith.constant 0.000000e+00 : f32
    %max3A_303 = vector.broadcast %max3A_302 : f32 to vector<256x384xf32>
    %max3A_304 = arith.maximumf %add3A_301, %max3A_303 : vector<256x384xf32>
    %convert_element_type3A_305 = arith.truncf %max3A_304 : vector<256x384xf32> to vector<256x384xbf16>
    %dot_general3A_306 = arith.constant dense<0.000000e+00> : vector<256x512xf32>
    %dot_general3A_307 = tpu.matmul %convert_element_type3A_305, %get3A_61, %dot_general3A_306 {dimension_numbers = #tpu.dot_dimension_numbers<[1], [0], [0], [1], [0, 0, 1, 1], [], []>, transpose_lhs_hint = false} : vector<256x384xbf16>, vector<384x512xbf16>, vector<256x512xf32> -> vector<256x512xf32>
    %add3A_308 = vector.broadcast %get3A_64 : vector<1x512xf32> to vector<256x512xf32>
    %add3A_309 = arith.addf %dot_general3A_307, %add3A_308 : vector<256x512xf32>
    %gt3A_310 = arith.constant 8 : i32
    %gt3A_311 = vector.broadcast %gt3A_310 : i32 to vector<256x1xi32>
    %gt3A_312 = arith.cmpi sgt, %broadcast_in_dim3A_28, %gt3A_311 : vector<256x1xi32>
    %convert_element_type3A_313 = arith.extui %gt3A_312 : vector<256x1xi1> to vector<256x1xi32>
    %convert_element_type3A_314 = arith.sitofp %convert_element_type3A_313 : vector<256x1xi32> to vector<256x1xf32>
    %mul3A_315 = vector.broadcast %convert_element_type3A_314 : vector<256x1xf32> to vector<256x512xf32>
    %mul3A_316 = arith.mulf %add3A_309, %mul3A_315 : vector<256x512xf32>
    %convert_element_type3A_317 = arith.truncf %mul3A_316 : vector<256x512xf32> to vector<256x512xbf16>
    %swap3A_318 = arith.constant 0 : index
    %swap3A_319 = arith.constant 4096 : index
    %swap3A_320 = vector.load %arg14[%swap3A_318, %swap3A_319] : memref<256x12288xbf16, #tpu.memory_space<vmem>>, vector<256x512xbf16>
    tpu.vector_store %arg14[%swap3A_318, %swap3A_319], %convert_element_type3A_317 {strides = array<i32>} : memref<256x12288xbf16, #tpu.memory_space<vmem>>, vector<256x512xbf16>,
    %slice3A_321 = vector.extract_strided_slice %add3A_52 {offsets = [9, 0], sizes = [1, 256], strides = [1, 1]} : vector<25x256xf32> to vector<1x256xf32>
    %squeeze3A_322 = vector.shape_cast %slice3A_321 : vector<1x256xf32> to vector<256xf32>
    %broadcast_in_dim3A_323 = vector.shape_cast %squeeze3A_322 : vector<256xf32> to vector<1x256xf32>
    %mul3A_324 = vector.broadcast %broadcast_in_dim3A_323 : vector<1x256xf32> to vector<256x256xf32>
    %mul3A_325 = arith.mulf %get3A_1, %mul3A_324 : vector<256x256xf32>
    %convert_element_type3A_326 = arith.truncf %mul3A_325 : vector<256x256xf32> to vector<256x256xbf16>
    %dot_general3A_327 = arith.constant dense<0.000000e+00> : vector<256x384xf32>
    %dot_general3A_328 = tpu.matmul %convert_element_type3A_326, %get3A_55, %dot_general3A_327 {dimension_numbers = #tpu.dot_dimension_numbers<[1], [0], [0], [1], [0, 0, 1, 1], [], []>, transpose_lhs_hint = false} : vector<256x256xbf16>, vector<256x384xbf16>, vector<256x384xf32> -> vector<256x384xf32>
    %add3A_329 = vector.broadcast %get3A_58 : vector<1x384xf32> to vector<256x384xf32>
    %add3A_330 = arith.addf %dot_general3A_328, %add3A_329 : vector<256x384xf32>
    %max3A_331 = arith.constant 0.000000e+00 : f32
    %max3A_332 = vector.broadcast %max3A_331 : f32 to vector<256x384xf32>
    %max3A_333 = arith.maximumf %add3A_330, %max3A_332 : vector<256x384xf32>
    %convert_element_type3A_334 = arith.truncf %max3A_333 : vector<256x384xf32> to vector<256x384xbf16>
    %dot_general3A_335 = arith.constant dense<0.000000e+00> : vector<256x512xf32>
    %dot_general3A_336 = tpu.matmul %convert_element_type3A_334, %get3A_61, %dot_general3A_335 {dimension_numbers = #tpu.dot_dimension_numbers<[1], [0], [0], [1], [0, 0, 1, 1], [], []>, transpose_lhs_hint = false} : vector<256x384xbf16>, vector<384x512xbf16>, vector<256x512xf32> -> vector<256x512xf32>
    %add3A_337 = vector.broadcast %get3A_64 : vector<1x512xf32> to vector<256x512xf32>
    %add3A_338 = arith.addf %dot_general3A_336, %add3A_337 : vector<256x512xf32>
    %gt3A_339 = arith.constant 9 : i32
    %gt3A_340 = vector.broadcast %gt3A_339 : i32 to vector<256x1xi32>
    %gt3A_341 = arith.cmpi sgt, %broadcast_in_dim3A_28, %gt3A_340 : vector<256x1xi32>
    %convert_element_type3A_342 = arith.extui %gt3A_341 : vector<256x1xi1> to vector<256x1xi32>
    %convert_element_type3A_343 = arith.sitofp %convert_element_type3A_342 : vector<256x1xi32> to vector<256x1xf32>
    %mul3A_344 = vector.broadcast %convert_element_type3A_343 : vector<256x1xf32> to vector<256x512xf32>
    %mul3A_345 = arith.mulf %add3A_338, %mul3A_344 : vector<256x512xf32>
    %convert_element_type3A_346 = arith.truncf %mul3A_345 : vector<256x512xf32> to vector<256x512xbf16>
    %swap3A_347 = arith.constant 0 : index
    %swap3A_348 = arith.constant 4608 : index
    %swap3A_349 = vector.load %arg14[%swap3A_347, %swap3A_348] : memref<256x12288xbf16, #tpu.memory_space<vmem>>, vector<256x512xbf16>
    tpu.vector_store %arg14[%swap3A_347, %swap3A_348], %convert_element_type3A_346 {strides = array<i32>} : memref<256x12288xbf16, #tpu.memory_space<vmem>>, vector<256x512xbf16>,
    %slice3A_350 = vector.extract_strided_slice %add3A_52 {offsets = [10, 0], sizes = [1, 256], strides = [1, 1]} : vector<25x256xf32> to vector<1x256xf32>
    %squeeze3A_351 = vector.shape_cast %slice3A_350 : vector<1x256xf32> to vector<256xf32>
    %broadcast_in_dim3A_352 = vector.shape_cast %squeeze3A_351 : vector<256xf32> to vector<1x256xf32>
    %mul3A_353 = vector.broadcast %broadcast_in_dim3A_352 : vector<1x256xf32> to vector<256x256xf32>
    %mul3A_354 = arith.mulf %get3A_1, %mul3A_353 : vector<256x256xf32>
    %convert_element_type3A_355 = arith.truncf %mul3A_354 : vector<256x256xf32> to vector<256x256xbf16>
    %dot_general3A_356 = arith.constant dense<0.000000e+00> : vector<256x384xf32>
    %dot_general3A_357 = tpu.matmul %convert_element_type3A_355, %get3A_55, %dot_general3A_356 {dimension_numbers = #tpu.dot_dimension_numbers<[1], [0], [0], [1], [0, 0, 1, 1], [], []>, transpose_lhs_hint = false} : vector<256x256xbf16>, vector<256x384xbf16>, vector<256x384xf32> -> vector<256x384xf32>
    %add3A_358 = vector.broadcast %get3A_58 : vector<1x384xf32> to vector<256x384xf32>
    %add3A_359 = arith.addf %dot_general3A_357, %add3A_358 : vector<256x384xf32>
    %max3A_360 = arith.constant 0.000000e+00 : f32
    %max3A_361 = vector.broadcast %max3A_360 : f32 to vector<256x384xf32>
    %max3A_362 = arith.maximumf %add3A_359, %max3A_361 : vector<256x384xf32>
    %convert_element_type3A_363 = arith.truncf %max3A_362 : vector<256x384xf32> to vector<256x384xbf16>
    %dot_general3A_364 = arith.constant dense<0.000000e+00> : vector<256x512xf32>
    %dot_general3A_365 = tpu.matmul %convert_element_type3A_363, %get3A_61, %dot_general3A_364 {dimension_numbers = #tpu.dot_dimension_numbers<[1], [0], [0], [1], [0, 0, 1, 1], [], []>, transpose_lhs_hint = false} : vector<256x384xbf16>, vector<384x512xbf16>, vector<256x512xf32> -> vector<256x512xf32>
    %add3A_366 = vector.broadcast %get3A_64 : vector<1x512xf32> to vector<256x512xf32>
    %add3A_367 = arith.addf %dot_general3A_365, %add3A_366 : vector<256x512xf32>
    %gt3A_368 = arith.constant 10 : i32
    %gt3A_369 = vector.broadcast %gt3A_368 : i32 to vector<256x1xi32>
    %gt3A_370 = arith.cmpi sgt, %broadcast_in_dim3A_28, %gt3A_369 : vector<256x1xi32>
    %convert_element_type3A_371 = arith.extui %gt3A_370 : vector<256x1xi1> to vector<256x1xi32>
    %convert_element_type3A_372 = arith.sitofp %convert_element_type3A_371 : vector<256x1xi32> to vector<256x1xf32>
    %mul3A_373 = vector.broadcast %convert_element_type3A_372 : vector<256x1xf32> to vector<256x512xf32>
    %mul3A_374 = arith.mulf %add3A_367, %mul3A_373 : vector<256x512xf32>
    %convert_element_type3A_375 = arith.truncf %mul3A_374 : vector<256x512xf32> to vector<256x512xbf16>
    %swap3A_376 = arith.constant 0 : index
    %swap3A_377 = arith.constant 5120 : index
    %swap3A_378 = vector.load %arg14[%swap3A_376, %swap3A_377] : memref<256x12288xbf16, #tpu.memory_space<vmem>>, vector<256x512xbf16>
    tpu.vector_store %arg14[%swap3A_376, %swap3A_377], %convert_element_type3A_375 {strides = array<i32>} : memref<256x12288xbf16, #tpu.memory_space<vmem>>, vector<256x512xbf16>,
    %slice3A_379 = vector.extract_strided_slice %add3A_52 {offsets = [11, 0], sizes = [1, 256], strides = [1, 1]} : vector<25x256xf32> to vector<1x256xf32>
    %squeeze3A_380 = vector.shape_cast %slice3A_379 : vector<1x256xf32> to vector<256xf32>
    %broadcast_in_dim3A_381 = vector.shape_cast %squeeze3A_380 : vector<256xf32> to vector<1x256xf32>
    %mul3A_382 = vector.broadcast %broadcast_in_dim3A_381 : vector<1x256xf32> to vector<256x256xf32>
    %mul3A_383 = arith.mulf %get3A_1, %mul3A_382 : vector<256x256xf32>
    %convert_element_type3A_384 = arith.truncf %mul3A_383 : vector<256x256xf32> to vector<256x256xbf16>
    %dot_general3A_385 = arith.constant dense<0.000000e+00> : vector<256x384xf32>
    %dot_general3A_386 = tpu.matmul %convert_element_type3A_384, %get3A_55, %dot_general3A_385 {dimension_numbers = #tpu.dot_dimension_numbers<[1], [0], [0], [1], [0, 0, 1, 1], [], []>, transpose_lhs_hint = false} : vector<256x256xbf16>, vector<256x384xbf16>, vector<256x384xf32> -> vector<256x384xf32>
    %add3A_387 = vector.broadcast %get3A_58 : vector<1x384xf32> to vector<256x384xf32>
    %add3A_388 = arith.addf %dot_general3A_386, %add3A_387 : vector<256x384xf32>
    %max3A_389 = arith.constant 0.000000e+00 : f32
    %max3A_390 = vector.broadcast %max3A_389 : f32 to vector<256x384xf32>
    %max3A_391 = arith.maximumf %add3A_388, %max3A_390 : vector<256x384xf32>
    %convert_element_type3A_392 = arith.truncf %max3A_391 : vector<256x384xf32> to vector<256x384xbf16>
    %dot_general3A_393 = arith.constant dense<0.000000e+00> : vector<256x512xf32>
    %dot_general3A_394 = tpu.matmul %convert_element_type3A_392, %get3A_61, %dot_general3A_393 {dimension_numbers = #tpu.dot_dimension_numbers<[1], [0], [0], [1], [0, 0, 1, 1], [], []>, transpose_lhs_hint = false} : vector<256x384xbf16>, vector<384x512xbf16>, vector<256x512xf32> -> vector<256x512xf32>
    %add3A_395 = vector.broadcast %get3A_64 : vector<1x512xf32> to vector<256x512xf32>
    %add3A_396 = arith.addf %dot_general3A_394, %add3A_395 : vector<256x512xf32>
    %gt3A_397 = arith.constant 11 : i32
    %gt3A_398 = vector.broadcast %gt3A_397 : i32 to vector<256x1xi32>
    %gt3A_399 = arith.cmpi sgt, %broadcast_in_dim3A_28, %gt3A_398 : vector<256x1xi32>
    %convert_element_type3A_400 = arith.extui %gt3A_399 : vector<256x1xi1> to vector<256x1xi32>
    %convert_element_type3A_401 = arith.sitofp %convert_element_type3A_400 : vector<256x1xi32> to vector<256x1xf32>
    %mul3A_402 = vector.broadcast %convert_element_type3A_401 : vector<256x1xf32> to vector<256x512xf32>
    %mul3A_403 = arith.mulf %add3A_396, %mul3A_402 : vector<256x512xf32>
    %convert_element_type3A_404 = arith.truncf %mul3A_403 : vector<256x512xf32> to vector<256x512xbf16>
    %swap3A_405 = arith.constant 0 : index
    %swap3A_406 = arith.constant 5632 : index
    %swap3A_407 = vector.load %arg14[%swap3A_405, %swap3A_406] : memref<256x12288xbf16, #tpu.memory_space<vmem>>, vector<256x512xbf16>
    tpu.vector_store %arg14[%swap3A_405, %swap3A_406], %convert_element_type3A_404 {strides = array<i32>} : memref<256x12288xbf16, #tpu.memory_space<vmem>>, vector<256x512xbf16>,
    %slice3A_408 = vector.extract_strided_slice %add3A_52 {offsets = [12, 0], sizes = [1, 256], strides = [1, 1]} : vector<25x256xf32> to vector<1x256xf32>
    %squeeze3A_409 = vector.shape_cast %slice3A_408 : vector<1x256xf32> to vector<256xf32>
    %broadcast_in_dim3A_410 = vector.shape_cast %squeeze3A_409 : vector<256xf32> to vector<1x256xf32>
    %mul3A_411 = vector.broadcast %broadcast_in_dim3A_410 : vector<1x256xf32> to vector<256x256xf32>
    %mul3A_412 = arith.mulf %get3A_1, %mul3A_411 : vector<256x256xf32>
    %convert_element_type3A_413 = arith.truncf %mul3A_412 : vector<256x256xf32> to vector<256x256xbf16>
    %dot_general3A_414 = arith.constant dense<0.000000e+00> : vector<256x384xf32>
    %dot_general3A_415 = tpu.matmul %convert_element_type3A_413, %get3A_55, %dot_general3A_414 {dimension_numbers = #tpu.dot_dimension_numbers<[1], [0], [0], [1], [0, 0, 1, 1], [], []>, transpose_lhs_hint = false} : vector<256x256xbf16>, vector<256x384xbf16>, vector<256x384xf32> -> vector<256x384xf32>
    %add3A_416 = vector.broadcast %get3A_58 : vector<1x384xf32> to vector<256x384xf32>
    %add3A_417 = arith.addf %dot_general3A_415, %add3A_416 : vector<256x384xf32>
    %max3A_418 = arith.constant 0.000000e+00 : f32
    %max3A_419 = vector.broadcast %max3A_418 : f32 to vector<256x384xf32>
    %max3A_420 = arith.maximumf %add3A_417, %max3A_419 : vector<256x384xf32>
    %convert_element_type3A_421 = arith.truncf %max3A_420 : vector<256x384xf32> to vector<256x384xbf16>
    %dot_general3A_422 = arith.constant dense<0.000000e+00> : vector<256x512xf32>
    %dot_general3A_423 = tpu.matmul %convert_element_type3A_421, %get3A_61, %dot_general3A_422 {dimension_numbers = #tpu.dot_dimension_numbers<[1], [0], [0], [1], [0, 0, 1, 1], [], []>, transpose_lhs_hint = false} : vector<256x384xbf16>, vector<384x512xbf16>, vector<256x512xf32> -> vector<256x512xf32>
    %add3A_424 = vector.broadcast %get3A_64 : vector<1x512xf32> to vector<256x512xf32>
    %add3A_425 = arith.addf %dot_general3A_423, %add3A_424 : vector<256x512xf32>
    %gt3A_426 = arith.constant 12 : i32
    %gt3A_427 = vector.broadcast %gt3A_426 : i32 to vector<256x1xi32>
    %gt3A_428 = arith.cmpi sgt, %broadcast_in_dim3A_28, %gt3A_427 : vector<256x1xi32>
    %convert_element_type3A_429 = arith.extui %gt3A_428 : vector<256x1xi1> to vector<256x1xi32>
    %convert_element_type3A_430 = arith.sitofp %convert_element_type3A_429 : vector<256x1xi32> to vector<256x1xf32>
    %mul3A_431 = vector.broadcast %convert_element_type3A_430 : vector<256x1xf32> to vector<256x512xf32>
    %mul3A_432 = arith.mulf %add3A_425, %mul3A_431 : vector<256x512xf32>
    %convert_element_type3A_433 = arith.truncf %mul3A_432 : vector<256x512xf32> to vector<256x512xbf16>
    %swap3A_434 = arith.constant 0 : index
    %swap3A_435 = arith.constant 6144 : index
    %swap3A_436 = vector.load %arg14[%swap3A_434, %swap3A_435] : memref<256x12288xbf16, #tpu.memory_space<vmem>>, vector<256x512xbf16>
    tpu.vector_store %arg14[%swap3A_434, %swap3A_435], %convert_element_type3A_433 {strides = array<i32>} : memref<256x12288xbf16, #tpu.memory_space<vmem>>, vector<256x512xbf16>,
    %slice3A_437 = vector.extract_strided_slice %add3A_52 {offsets = [13, 0], sizes = [1, 256], strides = [1, 1]} : vector<25x256xf32> to vector<1x256xf32>
    %squeeze3A_438 = vector.shape_cast %slice3A_437 : vector<1x256xf32> to vector<256xf32>
    %broadcast_in_dim3A_439 = vector.shape_cast %squeeze3A_438 : vector<256xf32> to vector<1x256xf32>
    %mul3A_440 = vector.broadcast %broadcast_in_dim3A_439 : vector<1x256xf32> to vector<256x256xf32>
    %mul3A_441 = arith.mulf %get3A_1, %mul3A_440 : vector<256x256xf32>
    %convert_element_type3A_442 = arith.truncf %mul3A_441 : vector<256x256xf32> to vector<256x256xbf16>
    %dot_general3A_443 = arith.constant dense<0.000000e+00> : vector<256x384xf32>
    %dot_general3A_444 = tpu.matmul %convert_element_type3A_442, %get3A_55, %dot_general3A_443 {dimension_numbers = #tpu.dot_dimension_numbers<[1], [0], [0], [1], [0, 0, 1, 1], [], []>, transpose_lhs_hint = false} : vector<256x256xbf16>, vector<256x384xbf16>, vector<256x384xf32> -> vector<256x384xf32>
    %add3A_445 = vector.broadcast %get3A_58 : vector<1x384xf32> to vector<256x384xf32>
    %add3A_446 = arith.addf %dot_general3A_444, %add3A_445 : vector<256x384xf32>
    %max3A_447 = arith.constant 0.000000e+00 : f32
    %max3A_448 = vector.broadcast %max3A_447 : f32 to vector<256x384xf32>
    %max3A_449 = arith.maximumf %add3A_446, %max3A_448 : vector<256x384xf32>
    %convert_element_type3A_450 = arith.truncf %max3A_449 : vector<256x384xf32> to vector<256x384xbf16>
    %dot_general3A_451 = arith.constant dense<0.000000e+00> : vector<256x512xf32>
    %dot_general3A_452 = tpu.matmul %convert_element_type3A_450, %get3A_61, %dot_general3A_451 {dimension_numbers = #tpu.dot_dimension_numbers<[1], [0], [0], [1], [0, 0, 1, 1], [], []>, transpose_lhs_hint = false} : vector<256x384xbf16>, vector<384x512xbf16>, vector<256x512xf32> -> vector<256x512xf32>
    %add3A_453 = vector.broadcast %get3A_64 : vector<1x512xf32> to vector<256x512xf32>
    %add3A_454 = arith.addf %dot_general3A_452, %add3A_453 : vector<256x512xf32>
    %gt3A_455 = arith.constant 13 : i32
    %gt3A_456 = vector.broadcast %gt3A_455 : i32 to vector<256x1xi32>
    %gt3A_457 = arith.cmpi sgt, %broadcast_in_dim3A_28, %gt3A_456 : vector<256x1xi32>
    %convert_element_type3A_458 = arith.extui %gt3A_457 : vector<256x1xi1> to vector<256x1xi32>
    %convert_element_type3A_459 = arith.sitofp %convert_element_type3A_458 : vector<256x1xi32> to vector<256x1xf32>
    %mul3A_460 = vector.broadcast %convert_element_type3A_459 : vector<256x1xf32> to vector<256x512xf32>
    %mul3A_461 = arith.mulf %add3A_454, %mul3A_460 : vector<256x512xf32>
    %convert_element_type3A_462 = arith.truncf %mul3A_461 : vector<256x512xf32> to vector<256x512xbf16>
    %swap3A_463 = arith.constant 0 : index
    %swap3A_464 = arith.constant 6656 : index
    %swap3A_465 = vector.load %arg14[%swap3A_463, %swap3A_464] : memref<256x12288xbf16, #tpu.memory_space<vmem>>, vector<256x512xbf16>
    tpu.vector_store %arg14[%swap3A_463, %swap3A_464], %convert_element_type3A_462 {strides = array<i32>} : memref<256x12288xbf16, #tpu.memory_space<vmem>>, vector<256x512xbf16>,
    %slice3A_466 = vector.extract_strided_slice %add3A_52 {offsets = [14, 0], sizes = [1, 256], strides = [1, 1]} : vector<25x256xf32> to vector<1x256xf32>
    %squeeze3A_467 = vector.shape_cast %slice3A_466 : vector<1x256xf32> to vector<256xf32>
    %broadcast_in_dim3A_468 = vector.shape_cast %squeeze3A_467 : vector<256xf32> to vector<1x256xf32>
    %mul3A_469 = vector.broadcast %broadcast_in_dim3A_468 : vector<1x256xf32> to vector<256x256xf32>
    %mul3A_470 = arith.mulf %get3A_1, %mul3A_469 : vector<256x256xf32>
    %convert_element_type3A_471 = arith.truncf %mul3A_470 : vector<256x256xf32> to vector<256x256xbf16>
    %dot_general3A_472 = arith.constant dense<0.000000e+00> : vector<256x384xf32>
    %dot_general3A_473 = tpu.matmul %convert_element_type3A_471, %get3A_55, %dot_general3A_472 {dimension_numbers = #tpu.dot_dimension_numbers<[1], [0], [0], [1], [0, 0, 1, 1], [], []>, transpose_lhs_hint = false} : vector<256x256xbf16>, vector<256x384xbf16>, vector<256x384xf32> -> vector<256x384xf32>
    %add3A_474 = vector.broadcast %get3A_58 : vector<1x384xf32> to vector<256x384xf32>
    %add3A_475 = arith.addf %dot_general3A_473, %add3A_474 : vector<256x384xf32>
    %max3A_476 = arith.constant 0.000000e+00 : f32
    %max3A_477 = vector.broadcast %max3A_476 : f32 to vector<256x384xf32>
    %max3A_478 = arith.maximumf %add3A_475, %max3A_477 : vector<256x384xf32>
    %convert_element_type3A_479 = arith.truncf %max3A_478 : vector<256x384xf32> to vector<256x384xbf16>
    %dot_general3A_480 = arith.constant dense<0.000000e+00> : vector<256x512xf32>
    %dot_general3A_481 = tpu.matmul %convert_element_type3A_479, %get3A_61, %dot_general3A_480 {dimension_numbers = #tpu.dot_dimension_numbers<[1], [0], [0], [1], [0, 0, 1, 1], [], []>, transpose_lhs_hint = false} : vector<256x384xbf16>, vector<384x512xbf16>, vector<256x512xf32> -> vector<256x512xf32>
    %add3A_482 = vector.broadcast %get3A_64 : vector<1x512xf32> to vector<256x512xf32>
    %add3A_483 = arith.addf %dot_general3A_481, %add3A_482 : vector<256x512xf32>
    %gt3A_484 = arith.constant 14 : i32
    %gt3A_485 = vector.broadcast %gt3A_484 : i32 to vector<256x1xi32>
    %gt3A_486 = arith.cmpi sgt, %broadcast_in_dim3A_28, %gt3A_485 : vector<256x1xi32>
    %convert_element_type3A_487 = arith.extui %gt3A_486 : vector<256x1xi1> to vector<256x1xi32>
    %convert_element_type3A_488 = arith.sitofp %convert_element_type3A_487 : vector<256x1xi32> to vector<256x1xf32>
    %mul3A_489 = vector.broadcast %convert_element_type3A_488 : vector<256x1xf32> to vector<256x512xf32>
    %mul3A_490 = arith.mulf %add3A_483, %mul3A_489 : vector<256x512xf32>
    %convert_element_type3A_491 = arith.truncf %mul3A_490 : vector<256x512xf32> to vector<256x512xbf16>
    %swap3A_492 = arith.constant 0 : index
    %swap3A_493 = arith.constant 7168 : index
    %swap3A_494 = vector.load %arg14[%swap3A_492, %swap3A_493] : memref<256x12288xbf16, #tpu.memory_space<vmem>>, vector<256x512xbf16>
    tpu.vector_store %arg14[%swap3A_492, %swap3A_493], %convert_element_type3A_491 {strides = array<i32>} : memref<256x12288xbf16, #tpu.memory_space<vmem>>, vector<256x512xbf16>,
    %slice3A_495 = vector.extract_strided_slice %add3A_52 {offsets = [15, 0], sizes = [1, 256], strides = [1, 1]} : vector<25x256xf32> to vector<1x256xf32>
    %squeeze3A_496 = vector.shape_cast %slice3A_495 : vector<1x256xf32> to vector<256xf32>
    %broadcast_in_dim3A_497 = vector.shape_cast %squeeze3A_496 : vector<256xf32> to vector<1x256xf32>
    %mul3A_498 = vector.broadcast %broadcast_in_dim3A_497 : vector<1x256xf32> to vector<256x256xf32>
    %mul3A_499 = arith.mulf %get3A_1, %mul3A_498 : vector<256x256xf32>
    %convert_element_type3A_500 = arith.truncf %mul3A_499 : vector<256x256xf32> to vector<256x256xbf16>
    %dot_general3A_501 = arith.constant dense<0.000000e+00> : vector<256x384xf32>
    %dot_general3A_502 = tpu.matmul %convert_element_type3A_500, %get3A_55, %dot_general3A_501 {dimension_numbers = #tpu.dot_dimension_numbers<[1], [0], [0], [1], [0, 0, 1, 1], [], []>, transpose_lhs_hint = false} : vector<256x256xbf16>, vector<256x384xbf16>, vector<256x384xf32> -> vector<256x384xf32>
    %add3A_503 = vector.broadcast %get3A_58 : vector<1x384xf32> to vector<256x384xf32>
    %add3A_504 = arith.addf %dot_general3A_502, %add3A_503 : vector<256x384xf32>
    %max3A_505 = arith.constant 0.000000e+00 : f32
    %max3A_506 = vector.broadcast %max3A_505 : f32 to vector<256x384xf32>
    %max3A_507 = arith.maximumf %add3A_504, %max3A_506 : vector<256x384xf32>
    %convert_element_type3A_508 = arith.truncf %max3A_507 : vector<256x384xf32> to vector<256x384xbf16>
    %dot_general3A_509 = arith.constant dense<0.000000e+00> : vector<256x512xf32>
    %dot_general3A_510 = tpu.matmul %convert_element_type3A_508, %get3A_61, %dot_general3A_509 {dimension_numbers = #tpu.dot_dimension_numbers<[1], [0], [0], [1], [0, 0, 1, 1], [], []>, transpose_lhs_hint = false} : vector<256x384xbf16>, vector<384x512xbf16>, vector<256x512xf32> -> vector<256x512xf32>
    %add3A_511 = vector.broadcast %get3A_64 : vector<1x512xf32> to vector<256x512xf32>
    %add3A_512 = arith.addf %dot_general3A_510, %add3A_511 : vector<256x512xf32>
    %gt3A_513 = arith.constant 15 : i32
    %gt3A_514 = vector.broadcast %gt3A_513 : i32 to vector<256x1xi32>
    %gt3A_515 = arith.cmpi sgt, %broadcast_in_dim3A_28, %gt3A_514 : vector<256x1xi32>
    %convert_element_type3A_516 = arith.extui %gt3A_515 : vector<256x1xi1> to vector<256x1xi32>
    %convert_element_type3A_517 = arith.sitofp %convert_element_type3A_516 : vector<256x1xi32> to vector<256x1xf32>
    %mul3A_518 = vector.broadcast %convert_element_type3A_517 : vector<256x1xf32> to vector<256x512xf32>
    %mul3A_519 = arith.mulf %add3A_512, %mul3A_518 : vector<256x512xf32>
    %convert_element_type3A_520 = arith.truncf %mul3A_519 : vector<256x512xf32> to vector<256x512xbf16>
    %swap3A_521 = arith.constant 0 : index
    %swap3A_522 = arith.constant 7680 : index
    %swap3A_523 = vector.load %arg14[%swap3A_521, %swap3A_522] : memref<256x12288xbf16, #tpu.memory_space<vmem>>, vector<256x512xbf16>
    tpu.vector_store %arg14[%swap3A_521, %swap3A_522], %convert_element_type3A_520 {strides = array<i32>} : memref<256x12288xbf16, #tpu.memory_space<vmem>>, vector<256x512xbf16>,
    %slice3A_524 = vector.extract_strided_slice %add3A_52 {offsets = [16, 0], sizes = [1, 256], strides = [1, 1]} : vector<25x256xf32> to vector<1x256xf32>
    %squeeze3A_525 = vector.shape_cast %slice3A_524 : vector<1x256xf32> to vector<256xf32>
    %broadcast_in_dim3A_526 = vector.shape_cast %squeeze3A_525 : vector<256xf32> to vector<1x256xf32>
    %mul3A_527 = vector.broadcast %broadcast_in_dim3A_526 : vector<1x256xf32> to vector<256x256xf32>
    %mul3A_528 = arith.mulf %get3A_1, %mul3A_527 : vector<256x256xf32>
    %convert_element_type3A_529 = arith.truncf %mul3A_528 : vector<256x256xf32> to vector<256x256xbf16>
    %dot_general3A_530 = arith.constant dense<0.000000e+00> : vector<256x384xf32>
    %dot_general3A_531 = tpu.matmul %convert_element_type3A_529, %get3A_55, %dot_general3A_530 {dimension_numbers = #tpu.dot_dimension_numbers<[1], [0], [0], [1], [0, 0, 1, 1], [], []>, transpose_lhs_hint = false} : vector<256x256xbf16>, vector<256x384xbf16>, vector<256x384xf32> -> vector<256x384xf32>
    %add3A_532 = vector.broadcast %get3A_58 : vector<1x384xf32> to vector<256x384xf32>
    %add3A_533 = arith.addf %dot_general3A_531, %add3A_532 : vector<256x384xf32>
    %max3A_534 = arith.constant 0.000000e+00 : f32
    %max3A_535 = vector.broadcast %max3A_534 : f32 to vector<256x384xf32>
    %max3A_536 = arith.maximumf %add3A_533, %max3A_535 : vector<256x384xf32>
    %convert_element_type3A_537 = arith.truncf %max3A_536 : vector<256x384xf32> to vector<256x384xbf16>
    %dot_general3A_538 = arith.constant dense<0.000000e+00> : vector<256x512xf32>
    %dot_general3A_539 = tpu.matmul %convert_element_type3A_537, %get3A_61, %dot_general3A_538 {dimension_numbers = #tpu.dot_dimension_numbers<[1], [0], [0], [1], [0, 0, 1, 1], [], []>, transpose_lhs_hint = false} : vector<256x384xbf16>, vector<384x512xbf16>, vector<256x512xf32> -> vector<256x512xf32>
    %add3A_540 = vector.broadcast %get3A_64 : vector<1x512xf32> to vector<256x512xf32>
    %add3A_541 = arith.addf %dot_general3A_539, %add3A_540 : vector<256x512xf32>
    %gt3A_542 = arith.constant 16 : i32
    %gt3A_543 = vector.broadcast %gt3A_542 : i32 to vector<256x1xi32>
    %gt3A_544 = arith.cmpi sgt, %broadcast_in_dim3A_28, %gt3A_543 : vector<256x1xi32>
    %convert_element_type3A_545 = arith.extui %gt3A_544 : vector<256x1xi1> to vector<256x1xi32>
    %convert_element_type3A_546 = arith.sitofp %convert_element_type3A_545 : vector<256x1xi32> to vector<256x1xf32>
    %mul3A_547 = vector.broadcast %convert_element_type3A_546 : vector<256x1xf32> to vector<256x512xf32>
    %mul3A_548 = arith.mulf %add3A_541, %mul3A_547 : vector<256x512xf32>
    %convert_element_type3A_549 = arith.truncf %mul3A_548 : vector<256x512xf32> to vector<256x512xbf16>
    %swap3A_550 = arith.constant 0 : index
    %swap3A_551 = arith.constant 8192 : index
    %swap3A_552 = vector.load %arg14[%swap3A_550, %swap3A_551] : memref<256x12288xbf16, #tpu.memory_space<vmem>>, vector<256x512xbf16>
    tpu.vector_store %arg14[%swap3A_550, %swap3A_551], %convert_element_type3A_549 {strides = array<i32>} : memref<256x12288xbf16, #tpu.memory_space<vmem>>, vector<256x512xbf16>,
    %slice3A_553 = vector.extract_strided_slice %add3A_52 {offsets = [17, 0], sizes = [1, 256], strides = [1, 1]} : vector<25x256xf32> to vector<1x256xf32>
    %squeeze3A_554 = vector.shape_cast %slice3A_553 : vector<1x256xf32> to vector<256xf32>
    %broadcast_in_dim3A_555 = vector.shape_cast %squeeze3A_554 : vector<256xf32> to vector<1x256xf32>
    %mul3A_556 = vector.broadcast %broadcast_in_dim3A_555 : vector<1x256xf32> to vector<256x256xf32>
    %mul3A_557 = arith.mulf %get3A_1, %mul3A_556 : vector<256x256xf32>
    %convert_element_type3A_558 = arith.truncf %mul3A_557 : vector<256x256xf32> to vector<256x256xbf16>
    %dot_general3A_559 = arith.constant dense<0.000000e+00> : vector<256x384xf32>
    %dot_general3A_560 = tpu.matmul %convert_element_type3A_558, %get3A_55, %dot_general3A_559 {dimension_numbers = #tpu.dot_dimension_numbers<[1], [0], [0], [1], [0, 0, 1, 1], [], []>, transpose_lhs_hint = false} : vector<256x256xbf16>, vector<256x384xbf16>, vector<256x384xf32> -> vector<256x384xf32>
    %add3A_561 = vector.broadcast %get3A_58 : vector<1x384xf32> to vector<256x384xf32>
    %add3A_562 = arith.addf %dot_general3A_560, %add3A_561 : vector<256x384xf32>
    %max3A_563 = arith.constant 0.000000e+00 : f32
    %max3A_564 = vector.broadcast %max3A_563 : f32 to vector<256x384xf32>
    %max3A_565 = arith.maximumf %add3A_562, %max3A_564 : vector<256x384xf32>
    %convert_element_type3A_566 = arith.truncf %max3A_565 : vector<256x384xf32> to vector<256x384xbf16>
    %dot_general3A_567 = arith.constant dense<0.000000e+00> : vector<256x512xf32>
    %dot_general3A_568 = tpu.matmul %convert_element_type3A_566, %get3A_61, %dot_general3A_567 {dimension_numbers = #tpu.dot_dimension_numbers<[1], [0], [0], [1], [0, 0, 1, 1], [], []>, transpose_lhs_hint = false} : vector<256x384xbf16>, vector<384x512xbf16>, vector<256x512xf32> -> vector<256x512xf32>
    %add3A_569 = vector.broadcast %get3A_64 : vector<1x512xf32> to vector<256x512xf32>
    %add3A_570 = arith.addf %dot_general3A_568, %add3A_569 : vector<256x512xf32>
    %gt3A_571 = arith.constant 17 : i32
    %gt3A_572 = vector.broadcast %gt3A_571 : i32 to vector<256x1xi32>
    %gt3A_573 = arith.cmpi sgt, %broadcast_in_dim3A_28, %gt3A_572 : vector<256x1xi32>
    %convert_element_type3A_574 = arith.extui %gt3A_573 : vector<256x1xi1> to vector<256x1xi32>
    %convert_element_type3A_575 = arith.sitofp %convert_element_type3A_574 : vector<256x1xi32> to vector<256x1xf32>
    %mul3A_576 = vector.broadcast %convert_element_type3A_575 : vector<256x1xf32> to vector<256x512xf32>
    %mul3A_577 = arith.mulf %add3A_570, %mul3A_576 : vector<256x512xf32>
    %convert_element_type3A_578 = arith.truncf %mul3A_577 : vector<256x512xf32> to vector<256x512xbf16>
    %swap3A_579 = arith.constant 0 : index
    %swap3A_580 = arith.constant 8704 : index
    %swap3A_581 = vector.load %arg14[%swap3A_579, %swap3A_580] : memref<256x12288xbf16, #tpu.memory_space<vmem>>, vector<256x512xbf16>
    tpu.vector_store %arg14[%swap3A_579, %swap3A_580], %convert_element_type3A_578 {strides = array<i32>} : memref<256x12288xbf16, #tpu.memory_space<vmem>>, vector<256x512xbf16>,
    %slice3A_582 = vector.extract_strided_slice %add3A_52 {offsets = [18, 0], sizes = [1, 256], strides = [1, 1]} : vector<25x256xf32> to vector<1x256xf32>
    %squeeze3A_583 = vector.shape_cast %slice3A_582 : vector<1x256xf32> to vector<256xf32>
    %broadcast_in_dim3A_584 = vector.shape_cast %squeeze3A_583 : vector<256xf32> to vector<1x256xf32>
    %mul3A_585 = vector.broadcast %broadcast_in_dim3A_584 : vector<1x256xf32> to vector<256x256xf32>
    %mul3A_586 = arith.mulf %get3A_1, %mul3A_585 : vector<256x256xf32>
    %convert_element_type3A_587 = arith.truncf %mul3A_586 : vector<256x256xf32> to vector<256x256xbf16>
    %dot_general3A_588 = arith.constant dense<0.000000e+00> : vector<256x384xf32>
    %dot_general3A_589 = tpu.matmul %convert_element_type3A_587, %get3A_55, %dot_general3A_588 {dimension_numbers = #tpu.dot_dimension_numbers<[1], [0], [0], [1], [0, 0, 1, 1], [], []>, transpose_lhs_hint = false} : vector<256x256xbf16>, vector<256x384xbf16>, vector<256x384xf32> -> vector<256x384xf32>
    %add3A_590 = vector.broadcast %get3A_58 : vector<1x384xf32> to vector<256x384xf32>
    %add3A_591 = arith.addf %dot_general3A_589, %add3A_590 : vector<256x384xf32>
    %max3A_592 = arith.constant 0.000000e+00 : f32
    %max3A_593 = vector.broadcast %max3A_592 : f32 to vector<256x384xf32>
    %max3A_594 = arith.maximumf %add3A_591, %max3A_593 : vector<256x384xf32>
    %convert_element_type3A_595 = arith.truncf %max3A_594 : vector<256x384xf32> to vector<256x384xbf16>
    %dot_general3A_596 = arith.constant dense<0.000000e+00> : vector<256x512xf32>
    %dot_general3A_597 = tpu.matmul %convert_element_type3A_595, %get3A_61, %dot_general3A_596 {dimension_numbers = #tpu.dot_dimension_numbers<[1], [0], [0], [1], [0, 0, 1, 1], [], []>, transpose_lhs_hint = false} : vector<256x384xbf16>, vector<384x512xbf16>, vector<256x512xf32> -> vector<256x512xf32>
    %add3A_598 = vector.broadcast %get3A_64 : vector<1x512xf32> to vector<256x512xf32>
    %add3A_599 = arith.addf %dot_general3A_597, %add3A_598 : vector<256x512xf32>
    %gt3A_600 = arith.constant 18 : i32
    %gt3A_601 = vector.broadcast %gt3A_600 : i32 to vector<256x1xi32>
    %gt3A_602 = arith.cmpi sgt, %broadcast_in_dim3A_28, %gt3A_601 : vector<256x1xi32>
    %convert_element_type3A_603 = arith.extui %gt3A_602 : vector<256x1xi1> to vector<256x1xi32>
    %convert_element_type3A_604 = arith.sitofp %convert_element_type3A_603 : vector<256x1xi32> to vector<256x1xf32>
    %mul3A_605 = vector.broadcast %convert_element_type3A_604 : vector<256x1xf32> to vector<256x512xf32>
    %mul3A_606 = arith.mulf %add3A_599, %mul3A_605 : vector<256x512xf32>
    %convert_element_type3A_607 = arith.truncf %mul3A_606 : vector<256x512xf32> to vector<256x512xbf16>
    %swap3A_608 = arith.constant 0 : index
    %swap3A_609 = arith.constant 9216 : index
    %swap3A_610 = vector.load %arg14[%swap3A_608, %swap3A_609] : memref<256x12288xbf16, #tpu.memory_space<vmem>>, vector<256x512xbf16>
    tpu.vector_store %arg14[%swap3A_608, %swap3A_609], %convert_element_type3A_607 {strides = array<i32>} : memref<256x12288xbf16, #tpu.memory_space<vmem>>, vector<256x512xbf16>,
    %slice3A_611 = vector.extract_strided_slice %add3A_52 {offsets = [19, 0], sizes = [1, 256], strides = [1, 1]} : vector<25x256xf32> to vector<1x256xf32>
    %squeeze3A_612 = vector.shape_cast %slice3A_611 : vector<1x256xf32> to vector<256xf32>
    %broadcast_in_dim3A_613 = vector.shape_cast %squeeze3A_612 : vector<256xf32> to vector<1x256xf32>
    %mul3A_614 = vector.broadcast %broadcast_in_dim3A_613 : vector<1x256xf32> to vector<256x256xf32>
    %mul3A_615 = arith.mulf %get3A_1, %mul3A_614 : vector<256x256xf32>
    %convert_element_type3A_616 = arith.truncf %mul3A_615 : vector<256x256xf32> to vector<256x256xbf16>
    %dot_general3A_617 = arith.constant dense<0.000000e+00> : vector<256x384xf32>
    %dot_general3A_618 = tpu.matmul %convert_element_type3A_616, %get3A_55, %dot_general3A_617 {dimension_numbers = #tpu.dot_dimension_numbers<[1], [0], [0], [1], [0, 0, 1, 1], [], []>, transpose_lhs_hint = false} : vector<256x256xbf16>, vector<256x384xbf16>, vector<256x384xf32> -> vector<256x384xf32>
    %add3A_619 = vector.broadcast %get3A_58 : vector<1x384xf32> to vector<256x384xf32>
    %add3A_620 = arith.addf %dot_general3A_618, %add3A_619 : vector<256x384xf32>
    %max3A_621 = arith.constant 0.000000e+00 : f32
    %max3A_622 = vector.broadcast %max3A_621 : f32 to vector<256x384xf32>
    %max3A_623 = arith.maximumf %add3A_620, %max3A_622 : vector<256x384xf32>
    %convert_element_type3A_624 = arith.truncf %max3A_623 : vector<256x384xf32> to vector<256x384xbf16>
    %dot_general3A_625 = arith.constant dense<0.000000e+00> : vector<256x512xf32>
    %dot_general3A_626 = tpu.matmul %convert_element_type3A_624, %get3A_61, %dot_general3A_625 {dimension_numbers = #tpu.dot_dimension_numbers<[1], [0], [0], [1], [0, 0, 1, 1], [], []>, transpose_lhs_hint = false} : vector<256x384xbf16>, vector<384x512xbf16>, vector<256x512xf32> -> vector<256x512xf32>
    %add3A_627 = vector.broadcast %get3A_64 : vector<1x512xf32> to vector<256x512xf32>
    %add3A_628 = arith.addf %dot_general3A_626, %add3A_627 : vector<256x512xf32>
    %gt3A_629 = arith.constant 19 : i32
    %gt3A_630 = vector.broadcast %gt3A_629 : i32 to vector<256x1xi32>
    %gt3A_631 = arith.cmpi sgt, %broadcast_in_dim3A_28, %gt3A_630 : vector<256x1xi32>
    %convert_element_type3A_632 = arith.extui %gt3A_631 : vector<256x1xi1> to vector<256x1xi32>
    %convert_element_type3A_633 = arith.sitofp %convert_element_type3A_632 : vector<256x1xi32> to vector<256x1xf32>
    %mul3A_634 = vector.broadcast %convert_element_type3A_633 : vector<256x1xf32> to vector<256x512xf32>
    %mul3A_635 = arith.mulf %add3A_628, %mul3A_634 : vector<256x512xf32>
    %convert_element_type3A_636 = arith.truncf %mul3A_635 : vector<256x512xf32> to vector<256x512xbf16>
    %swap3A_637 = arith.constant 0 : index
    %swap3A_638 = arith.constant 9728 : index
    %swap3A_639 = vector.load %arg14[%swap3A_637, %swap3A_638] : memref<256x12288xbf16, #tpu.memory_space<vmem>>, vector<256x512xbf16>
    tpu.vector_store %arg14[%swap3A_637, %swap3A_638], %convert_element_type3A_636 {strides = array<i32>} : memref<256x12288xbf16, #tpu.memory_space<vmem>>, vector<256x512xbf16>,
    %slice3A_640 = vector.extract_strided_slice %add3A_52 {offsets = [20, 0], sizes = [1, 256], strides = [1, 1]} : vector<25x256xf32> to vector<1x256xf32>
    %squeeze3A_641 = vector.shape_cast %slice3A_640 : vector<1x256xf32> to vector<256xf32>
    %broadcast_in_dim3A_642 = vector.shape_cast %squeeze3A_641 : vector<256xf32> to vector<1x256xf32>
    %mul3A_643 = vector.broadcast %broadcast_in_dim3A_642 : vector<1x256xf32> to vector<256x256xf32>
    %mul3A_644 = arith.mulf %get3A_1, %mul3A_643 : vector<256x256xf32>
    %convert_element_type3A_645 = arith.truncf %mul3A_644 : vector<256x256xf32> to vector<256x256xbf16>
    %dot_general3A_646 = arith.constant dense<0.000000e+00> : vector<256x384xf32>
    %dot_general3A_647 = tpu.matmul %convert_element_type3A_645, %get3A_55, %dot_general3A_646 {dimension_numbers = #tpu.dot_dimension_numbers<[1], [0], [0], [1], [0, 0, 1, 1], [], []>, transpose_lhs_hint = false} : vector<256x256xbf16>, vector<256x384xbf16>, vector<256x384xf32> -> vector<256x384xf32>
    %add3A_648 = vector.broadcast %get3A_58 : vector<1x384xf32> to vector<256x384xf32>
    %add3A_649 = arith.addf %dot_general3A_647, %add3A_648 : vector<256x384xf32>
    %max3A_650 = arith.constant 0.000000e+00 : f32
    %max3A_651 = vector.broadcast %max3A_650 : f32 to vector<256x384xf32>
    %max3A_652 = arith.maximumf %add3A_649, %max3A_651 : vector<256x384xf32>
    %convert_element_type3A_653 = arith.truncf %max3A_652 : vector<256x384xf32> to vector<256x384xbf16>
    %dot_general3A_654 = arith.constant dense<0.000000e+00> : vector<256x512xf32>
    %dot_general3A_655 = tpu.matmul %convert_element_type3A_653, %get3A_61, %dot_general3A_654 {dimension_numbers = #tpu.dot_dimension_numbers<[1], [0], [0], [1], [0, 0, 1, 1], [], []>, transpose_lhs_hint = false} : vector<256x384xbf16>, vector<384x512xbf16>, vector<256x512xf32> -> vector<256x512xf32>
    %add3A_656 = vector.broadcast %get3A_64 : vector<1x512xf32> to vector<256x512xf32>
    %add3A_657 = arith.addf %dot_general3A_655, %add3A_656 : vector<256x512xf32>
    %gt3A_658 = arith.constant 20 : i32
    %gt3A_659 = vector.broadcast %gt3A_658 : i32 to vector<256x1xi32>
    %gt3A_660 = arith.cmpi sgt, %broadcast_in_dim3A_28, %gt3A_659 : vector<256x1xi32>
    %convert_element_type3A_661 = arith.extui %gt3A_660 : vector<256x1xi1> to vector<256x1xi32>
    %convert_element_type3A_662 = arith.sitofp %convert_element_type3A_661 : vector<256x1xi32> to vector<256x1xf32>
    %mul3A_663 = vector.broadcast %convert_element_type3A_662 : vector<256x1xf32> to vector<256x512xf32>
    %mul3A_664 = arith.mulf %add3A_657, %mul3A_663 : vector<256x512xf32>
    %convert_element_type3A_665 = arith.truncf %mul3A_664 : vector<256x512xf32> to vector<256x512xbf16>
    %swap3A_666 = arith.constant 0 : index
    %swap3A_667 = arith.constant 10240 : index
    %swap3A_668 = vector.load %arg14[%swap3A_666, %swap3A_667] : memref<256x12288xbf16, #tpu.memory_space<vmem>>, vector<256x512xbf16>
    tpu.vector_store %arg14[%swap3A_666, %swap3A_667], %convert_element_type3A_665 {strides = array<i32>} : memref<256x12288xbf16, #tpu.memory_space<vmem>>, vector<256x512xbf16>,
    %slice3A_669 = vector.extract_strided_slice %add3A_52 {offsets = [21, 0], sizes = [1, 256], strides = [1, 1]} : vector<25x256xf32> to vector<1x256xf32>
    %squeeze3A_670 = vector.shape_cast %slice3A_669 : vector<1x256xf32> to vector<256xf32>
    %broadcast_in_dim3A_671 = vector.shape_cast %squeeze3A_670 : vector<256xf32> to vector<1x256xf32>
    %mul3A_672 = vector.broadcast %broadcast_in_dim3A_671 : vector<1x256xf32> to vector<256x256xf32>
    %mul3A_673 = arith.mulf %get3A_1, %mul3A_672 : vector<256x256xf32>
    %convert_element_type3A_674 = arith.truncf %mul3A_673 : vector<256x256xf32> to vector<256x256xbf16>
    %dot_general3A_675 = arith.constant dense<0.000000e+00> : vector<256x384xf32>
    %dot_general3A_676 = tpu.matmul %convert_element_type3A_674, %get3A_55, %dot_general3A_675 {dimension_numbers = #tpu.dot_dimension_numbers<[1], [0], [0], [1], [0, 0, 1, 1], [], []>, transpose_lhs_hint = false} : vector<256x256xbf16>, vector<256x384xbf16>, vector<256x384xf32> -> vector<256x384xf32>
    %add3A_677 = vector.broadcast %get3A_58 : vector<1x384xf32> to vector<256x384xf32>
    %add3A_678 = arith.addf %dot_general3A_676, %add3A_677 : vector<256x384xf32>
    %max3A_679 = arith.constant 0.000000e+00 : f32
    %max3A_680 = vector.broadcast %max3A_679 : f32 to vector<256x384xf32>
    %max3A_681 = arith.maximumf %add3A_678, %max3A_680 : vector<256x384xf32>
    %convert_element_type3A_682 = arith.truncf %max3A_681 : vector<256x384xf32> to vector<256x384xbf16>
    %dot_general3A_683 = arith.constant dense<0.000000e+00> : vector<256x512xf32>
    %dot_general3A_684 = tpu.matmul %convert_element_type3A_682, %get3A_61, %dot_general3A_683 {dimension_numbers = #tpu.dot_dimension_numbers<[1], [0], [0], [1], [0, 0, 1, 1], [], []>, transpose_lhs_hint = false} : vector<256x384xbf16>, vector<384x512xbf16>, vector<256x512xf32> -> vector<256x512xf32>
    %add3A_685 = vector.broadcast %get3A_64 : vector<1x512xf32> to vector<256x512xf32>
    %add3A_686 = arith.addf %dot_general3A_684, %add3A_685 : vector<256x512xf32>
    %gt3A_687 = arith.constant 21 : i32
    %gt3A_688 = vector.broadcast %gt3A_687 : i32 to vector<256x1xi32>
    %gt3A_689 = arith.cmpi sgt, %broadcast_in_dim3A_28, %gt3A_688 : vector<256x1xi32>
    %convert_element_type3A_690 = arith.extui %gt3A_689 : vector<256x1xi1> to vector<256x1xi32>
    %convert_element_type3A_691 = arith.sitofp %convert_element_type3A_690 : vector<256x1xi32> to vector<256x1xf32>
    %mul3A_692 = vector.broadcast %convert_element_type3A_691 : vector<256x1xf32> to vector<256x512xf32>
    %mul3A_693 = arith.mulf %add3A_686, %mul3A_692 : vector<256x512xf32>
    %convert_element_type3A_694 = arith.truncf %mul3A_693 : vector<256x512xf32> to vector<256x512xbf16>
    %swap3A_695 = arith.constant 0 : index
    %swap3A_696 = arith.constant 10752 : index
    %swap3A_697 = vector.load %arg14[%swap3A_695, %swap3A_696] : memref<256x12288xbf16, #tpu.memory_space<vmem>>, vector<256x512xbf16>
    tpu.vector_store %arg14[%swap3A_695, %swap3A_696], %convert_element_type3A_694 {strides = array<i32>} : memref<256x12288xbf16, #tpu.memory_space<vmem>>, vector<256x512xbf16>,
    %slice3A_698 = vector.extract_strided_slice %add3A_52 {offsets = [22, 0], sizes = [1, 256], strides = [1, 1]} : vector<25x256xf32> to vector<1x256xf32>
    %squeeze3A_699 = vector.shape_cast %slice3A_698 : vector<1x256xf32> to vector<256xf32>
    %broadcast_in_dim3A_700 = vector.shape_cast %squeeze3A_699 : vector<256xf32> to vector<1x256xf32>
    %mul3A_701 = vector.broadcast %broadcast_in_dim3A_700 : vector<1x256xf32> to vector<256x256xf32>
    %mul3A_702 = arith.mulf %get3A_1, %mul3A_701 : vector<256x256xf32>
    %convert_element_type3A_703 = arith.truncf %mul3A_702 : vector<256x256xf32> to vector<256x256xbf16>
    %dot_general3A_704 = arith.constant dense<0.000000e+00> : vector<256x384xf32>
    %dot_general3A_705 = tpu.matmul %convert_element_type3A_703, %get3A_55, %dot_general3A_704 {dimension_numbers = #tpu.dot_dimension_numbers<[1], [0], [0], [1], [0, 0, 1, 1], [], []>, transpose_lhs_hint = false} : vector<256x256xbf16>, vector<256x384xbf16>, vector<256x384xf32> -> vector<256x384xf32>
    %add3A_706 = vector.broadcast %get3A_58 : vector<1x384xf32> to vector<256x384xf32>
    %add3A_707 = arith.addf %dot_general3A_705, %add3A_706 : vector<256x384xf32>
    %max3A_708 = arith.constant 0.000000e+00 : f32
    %max3A_709 = vector.broadcast %max3A_708 : f32 to vector<256x384xf32>
    %max3A_710 = arith.maximumf %add3A_707, %max3A_709 : vector<256x384xf32>
    %convert_element_type3A_711 = arith.truncf %max3A_710 : vector<256x384xf32> to vector<256x384xbf16>
    %dot_general3A_712 = arith.constant dense<0.000000e+00> : vector<256x512xf32>
    %dot_general3A_713 = tpu.matmul %convert_element_type3A_711, %get3A_61, %dot_general3A_712 {dimension_numbers = #tpu.dot_dimension_numbers<[1], [0], [0], [1], [0, 0, 1, 1], [], []>, transpose_lhs_hint = false} : vector<256x384xbf16>, vector<384x512xbf16>, vector<256x512xf32> -> vector<256x512xf32>
    %add3A_714 = vector.broadcast %get3A_64 : vector<1x512xf32> to vector<256x512xf32>
    %add3A_715 = arith.addf %dot_general3A_713, %add3A_714 : vector<256x512xf32>
    %gt3A_716 = arith.constant 22 : i32
    %gt3A_717 = vector.broadcast %gt3A_716 : i32 to vector<256x1xi32>
    %gt3A_718 = arith.cmpi sgt, %broadcast_in_dim3A_28, %gt3A_717 : vector<256x1xi32>
    %convert_element_type3A_719 = arith.extui %gt3A_718 : vector<256x1xi1> to vector<256x1xi32>
    %convert_element_type3A_720 = arith.sitofp %convert_element_type3A_719 : vector<256x1xi32> to vector<256x1xf32>
    %mul3A_721 = vector.broadcast %convert_element_type3A_720 : vector<256x1xf32> to vector<256x512xf32>
    %mul3A_722 = arith.mulf %add3A_715, %mul3A_721 : vector<256x512xf32>
    %convert_element_type3A_723 = arith.truncf %mul3A_722 : vector<256x512xf32> to vector<256x512xbf16>
    %swap3A_724 = arith.constant 0 : index
    %swap3A_725 = arith.constant 11264 : index
    %swap3A_726 = vector.load %arg14[%swap3A_724, %swap3A_725] : memref<256x12288xbf16, #tpu.memory_space<vmem>>, vector<256x512xbf16>
    tpu.vector_store %arg14[%swap3A_724, %swap3A_725], %convert_element_type3A_723 {strides = array<i32>} : memref<256x12288xbf16, #tpu.memory_space<vmem>>, vector<256x512xbf16>,
    %slice3A_727 = vector.extract_strided_slice %add3A_52 {offsets = [23, 0], sizes = [1, 256], strides = [1, 1]} : vector<25x256xf32> to vector<1x256xf32>
    %squeeze3A_728 = vector.shape_cast %slice3A_727 : vector<1x256xf32> to vector<256xf32>
    %broadcast_in_dim3A_729 = vector.shape_cast %squeeze3A_728 : vector<256xf32> to vector<1x256xf32>
    %mul3A_730 = vector.broadcast %broadcast_in_dim3A_729 : vector<1x256xf32> to vector<256x256xf32>
    %mul3A_731 = arith.mulf %get3A_1, %mul3A_730 : vector<256x256xf32>
    %convert_element_type3A_732 = arith.truncf %mul3A_731 : vector<256x256xf32> to vector<256x256xbf16>
    %dot_general3A_733 = arith.constant dense<0.000000e+00> : vector<256x384xf32>
    %dot_general3A_734 = tpu.matmul %convert_element_type3A_732, %get3A_55, %dot_general3A_733 {dimension_numbers = #tpu.dot_dimension_numbers<[1], [0], [0], [1], [0, 0, 1, 1], [], []>, transpose_lhs_hint = false} : vector<256x256xbf16>, vector<256x384xbf16>, vector<256x384xf32> -> vector<256x384xf32>
    %add3A_735 = vector.broadcast %get3A_58 : vector<1x384xf32> to vector<256x384xf32>
    %add3A_736 = arith.addf %dot_general3A_734, %add3A_735 : vector<256x384xf32>
    %max3A_737 = arith.constant 0.000000e+00 : f32
    %max3A_738 = vector.broadcast %max3A_737 : f32 to vector<256x384xf32>
    %max3A_739 = arith.maximumf %add3A_736, %max3A_738 : vector<256x384xf32>
    %convert_element_type3A_740 = arith.truncf %max3A_739 : vector<256x384xf32> to vector<256x384xbf16>
    %dot_general3A_741 = arith.constant dense<0.000000e+00> : vector<256x512xf32>
    %dot_general3A_742 = tpu.matmul %convert_element_type3A_740, %get3A_61, %dot_general3A_741 {dimension_numbers = #tpu.dot_dimension_numbers<[1], [0], [0], [1], [0, 0, 1, 1], [], []>, transpose_lhs_hint = false} : vector<256x384xbf16>, vector<384x512xbf16>, vector<256x512xf32> -> vector<256x512xf32>
    %add3A_743 = vector.broadcast %get3A_64 : vector<1x512xf32> to vector<256x512xf32>
    %add3A_744 = arith.addf %dot_general3A_742, %add3A_743 : vector<256x512xf32>
    %gt3A_745 = arith.constant 23 : i32
    %gt3A_746 = vector.broadcast %gt3A_745 : i32 to vector<256x1xi32>
    %gt3A_747 = arith.cmpi sgt, %broadcast_in_dim3A_28, %gt3A_746 : vector<256x1xi32>
    %convert_element_type3A_748 = arith.extui %gt3A_747 : vector<256x1xi1> to vector<256x1xi32>
    %convert_element_type3A_749 = arith.sitofp %convert_element_type3A_748 : vector<256x1xi32> to vector<256x1xf32>
    %mul3A_750 = vector.broadcast %convert_element_type3A_749 : vector<256x1xf32> to vector<256x512xf32>
    %mul3A_751 = arith.mulf %add3A_744, %mul3A_750 : vector<256x512xf32>
    %convert_element_type3A_752 = arith.truncf %mul3A_751 : vector<256x512xf32> to vector<256x512xbf16>
    %swap3A_753 = arith.constant 0 : index
    %swap3A_754 = arith.constant 11776 : index
    %swap3A_755 = vector.load %arg14[%swap3A_753, %swap3A_754] : memref<256x12288xbf16, #tpu.memory_space<vmem>>, vector<256x512xbf16>
    tpu.vector_store %arg14[%swap3A_753, %swap3A_754], %convert_element_type3A_752 {strides = array<i32>} : memref<256x12288xbf16, #tpu.memory_space<vmem>>, vector<256x512xbf16>,
    return
  }
  func.func @transform_0(%arg0: i32) -> (i32, i32) {
    %c0_i32 = arith.constant 0 : i32
    %c0_i32_0 = arith.constant 0 : i32
    return %arg0, %c0_i32 : i32, i32
  }
  func.func @transform_1(%arg0: i32) -> (i32, i32) {
    %c0_i32 = arith.constant 0 : i32
    %c0_i32_0 = arith.constant 0 : i32
    %c0_i32_1 = arith.constant 0 : i32
    return %c0_i32, %c0_i32_0 : i32, i32
  }
  func.func @transform_2(%arg0: i32) -> (i32, i32) {
    %c0_i32 = arith.constant 0 : i32
    %c0_i32_0 = arith.constant 0 : i32
    %c0_i32_1 = arith.constant 0 : i32
    return %c0_i32, %c0_i32_0 : i32, i32
  }
  func.func @transform_3(%arg0: i32) -> (i32, i32) {
    %c0_i32 = arith.constant 0 : i32
    %c0_i32_0 = arith.constant 0 : i32
    %c0_i32_1 = arith.constant 0 : i32
    return %c0_i32, %c0_i32_0 : i32, i32
  }
  func.func @transform_4(%arg0: i32) -> (i32, i32) {
    %c0_i32 = arith.constant 0 : i32
    %c0_i32_0 = arith.constant 0 : i32
    %c0_i32_1 = arith.constant 0 : i32
    return %c0_i32, %c0_i32_0 : i32, i32
  }
  func.func @transform_5(%arg0: i32) -> (i32, i32) {
    %c0_i32 = arith.constant 0 : i32
    %c0_i32_0 = arith.constant 0 : i32
    %c0_i32_1 = arith.constant 0 : i32
    return %c0_i32, %c0_i32_0 : i32, i32
  }
  func.func @transform_6(%arg0: i32) -> (i32, i32) {
    %c0_i32 = arith.constant 0 : i32
    %c0_i32_0 = arith.constant 0 : i32
    %c0_i32_1 = arith.constant 0 : i32
    return %c0_i32, %c0_i32_0 : i32, i32
  }
  func.func @transform_7(%arg0: i32) -> (i32, i32) {
    %c0_i32 = arith.constant 0 : i32
    %c0_i32_0 = arith.constant 0 : i32
    %c0_i32_1 = arith.constant 0 : i32
    return %c0_i32, %c0_i32_0 : i32, i32
  }
  func.func @transform_8(%arg0: i32) -> (i32, i32) {
    %c0_i32 = arith.constant 0 : i32
    %c0_i32_0 = arith.constant 0 : i32
    %c0_i32_1 = arith.constant 0 : i32
    return %c0_i32, %c0_i32_0 : i32, i32
  }
  func.func @transform_9(%arg0: i32) -> (i32, i32) {
    %c0_i32 = arith.constant 0 : i32
    %c0_i32_0 = arith.constant 0 : i32
    %c0_i32_1 = arith.constant 0 : i32
    return %c0_i32, %c0_i32_0 : i32, i32
  }
  func.func @transform_10(%arg0: i32) -> (i32, i32) {
    %c0_i32 = arith.constant 0 : i32
    %c0_i32_0 = arith.constant 0 : i32
    %c0_i32_1 = arith.constant 0 : i32
    return %c0_i32, %c0_i32_0 : i32, i32
  }
  func.func @transform_11(%arg0: i32) -> (i32, i32) {
    %c0_i32 = arith.constant 0 : i32
    %c0_i32_0 = arith.constant 0 : i32
    %c0_i32_1 = arith.constant 0 : i32
    return %c0_i32, %c0_i32_0 : i32, i32
  }
  func.func @transform_12(%arg0: i32) -> (i32, i32) {
    %c0_i32 = arith.constant 0 : i32
    %c0_i32_0 = arith.constant 0 : i32
    %c0_i32_1 = arith.constant 0 : i32
    return %c0_i32, %c0_i32_0 : i32, i32
  }
  func.func @transform_13(%arg0: i32) -> (i32, i32) {
    %c0_i32 = arith.constant 0 : i32
    %c0_i32_0 = arith.constant 0 : i32
    return %arg0, %c0_i32 : i32, i32
  }
  func.func @transform_14(%arg0: i32) -> (i32, i32) {
    %c0_i32 = arith.constant 0 : i32
    %c0_i32_0 = arith.constant 0 : i32
    return %arg0, %c0_i32 : i32, i32
  }
  func.func @transform_15(%arg0: i32) -> (i32, i32) {
    %c0_i32 = arith.constant 0 : i32
    %c0_i32_0 = arith.constant 0 : i32
    return %arg0, %c0_i32 : i32, i32
  }
}

</mosaic_0001>

<sc_bundles>
// kernel: sparse-core-data-format-call.cloned.1.call-start
scs
called_computation_lowered:
.L_overlay_start_0:
0x0: {  	s2 =	sld [smem:$0x3FD9]  }
0x1: {  	s3 =	sld [smem:$0x3FFE];
	_ =	sdelay $0x1  }
0x2: {  	s1 =	srdreg.scid  }
0x3: {  	s0 =	sand.u32 $0x1, s1  }
0x4: {  	s15 =	sshll.u32 s0, $0xA;
	s2 =	sadd.s32 s3, s2  }
0x5: {  	s2 =	sadd.s32 s2, s15  }
0x6: {  	[smem:$0x3FBB] =	sst s2  }
0x7: {  	_ = 	snop  }
0x8: {  	s2 =	sld [smem:$0x3FD0];
	_ =	sdelay $0x2  }
0x9: {  	s16 =	simm.s32 $0xA;
	s4 =	simm.s32 $0x10  }
0xa: {  	[smem:s4], [sflag:s16] =	dma.local [hbm:s2], $0x1  }
0xb: {  	_ =	swait.eq [sflag:s16], $0x1  }
0xc: {  	[sflag:s16] =	ssyncset.done $0x0  }
0xd: {  	[sflag:s16] =	ssyncadd.s32 $0xFFFFFFFF  }
0xe: {  	s17 =	sld [smem:$0x10];
	(tm) =	ssettm $0x1  }
0xf: {  	s18 =	sld [smem:$0x3FFB];
	_ =	sdelay $0x3  }
0x10: {  	_ =	strace s18  }
0x11: {  	s3 =	sld [smem:$0x3FFC];
	_ =	sdelay $0x3  }
0x12: {  	_ =	strace s3  }
0x13: {  	s3 =	sld [smem:$0x3FFD];
	_ =	sdelay $0x3  }
0x14: {  	_ =	strace s3  }
0x15: {  	_ =	strace $0x8FFFFFFF  }
0x16: {  	s19 =	sld [smem:$0x3FDB];
	_ =	sdelay $0x1  }
0x17: {  	s20 =	simm.s32 $_scs_section_size  }
0x18: {  	s5 =	simm.s32 $_size__tile_overlayer_lowered;
	s6 =	simm.s32 $_tile_overlayer_lowered  }
0x19: {  	s23 =	simm.s32 $0x1BFF;
	s22 =	sshll.u32 s6, $0x1;
	s3 =	sadd.s32 s20, s19  }
0x1a: {  	s7 =	simm.s32 $0x0;
	s21 =	sshll.u32 s5, $0x1;
	s5 =	sadd.s32 s22, s3  }
0x1b: {  	[timem:s7], [sflag:s23] =	dma.local [hbm:s5], s21  }
0x1c: {  	_ =	swait.ge [sflag:s23], s21  }
0x1d: {  	s4 =	ssub.s32 $0x0, s21;
	[sflag:s23] =	ssyncset.done $0x0  }
0x1e: {  	[sflag:s23] =	ssyncadd.s32 s4;
	_ =	sdelay $0x1  }
0x1f: {  	s24 =	simm.s32 $0x1B8B  }
0x20: {  	_ =	swait.ge [sflag:s24], $0x1  }
0x21: {  	[sflag:s24] =	ssyncset.done $0x0  }
0x22: {  	s26 =	simm.s32 $0x1B8E;
	s25 =	sld [smem:$0x3FFE];
	[sflag:s24] =	ssyncadd.s32 $0xFFFFFFFF  }
0x23: {  	s27 =	simm.s32 $execute0_lowered;
	[smem:$0x3FD2] =	sst s26  }
0x24: {  	s5 =	sshll.u32 s27, $0x1;
	_ =	strace $0x80000046;
	[dreg:$0x1] =	wrdreg $0xFFFFFFFF  }
0x25: {  	s28 =	simm.s32 $_size_execute0_lowered;
	s3 =	sadd.s32 s3, s5;
	[dreg:$0x0] =	wrdreg $0x0  }
0x26: {  	s5 =	sshll.u32 s28, $0x1;
	[dreg:$0x2] =	wrdreg s3  }
0x27: {  	[dreg:$0x3] =	wrdreg s5  }
0x28: {  	[dreg:$0x4] =	wrdreg $0xC0  }
0x29: {  	_ =	task [dreg:s7], $0x5FFFF  }
0x2a: {  	[dreg:$0x1] =	wrdreg $0xFFFFFFFF  }
0x2b: {  	[dreg:$0x0] =	wrdreg $0x60  }
0x2c: {  	[dreg:$0x2] =	wrdreg s17  }
0x2d: {  	[dreg:$0x3] =	wrdreg s25  }
0x2e: {  	[dreg:$0x4] =	wrdreg $0x9  }
0x2f: {  	_ =	task.clear_ibuf [dreg:s7], $0x5FFFF;
	_ =	strace $0x90000046  }
0x30: {  	s29 =	simm.s32 $0x9;
	_ =	strace $0x80000048  }
0x31: {  	_ =	swait.ge [sflag:s29], $0x1  }
0x32: {  	[sflag:s29] =	ssyncadd.s32 $0xFFFFFFFF  }
0x33: {  	_ =	strace $0x90000048  }
0x34: {  	_ =	sfence  }
0x35: {  	s30 =	sld [smem:$0x0];
	_ =	sdelay $0x2  }
0x36: {  	s31 =	sshll.u32 s1, $0xD;
	s1 =	sshrl.u32 s1, $0x2  }
0x37: {  	s3 =	sand.u32 $0x4000, s31;
	s1 =	sadd.s32 s1, s30  }
0x38: {  	s0 =	sor.u32 s3, s0;
	s1 =	sshll.u32 s1, $0x11  }
0x39: {  	s0 =	sor.u32 s1, s0  }
0x3a: {  	s0 =	sadd.s32 $0x8F2B, s0  }
0x3b: {  	[sflag:s0] =	ssyncadd.remote.s32 $0x1  }
0x3c: {  	_ =	sfence.sel $0xFFFF  }
0x3d: {  	[dreg:$0x0] =	wrdreg $0xFFFFFFFF;
	(pc) =	sbr.abs _section_cstart, $3  }
0x3e: {  	[dreg:$0x1] =	wrdreg $0xFFFFFFFF  }
0x3f: {  	_ =	task.clear_ibuf [dreg:s7], $0x2FFFF;
	_ =	strace $0x9FFFFFFF  }
0x40: {  	(tm) =	ssettm $0x7FFFFFFF  }
0x41: {  	_ =	shalt  }
tec
execute0_lowered:
.L_overlay_start_1:
0x0: {  	(tag) =	ssettag $0x1  }
0x1: {  	s4 =	rddreg [dreg:$0x0]  }
0x2: {  	s0 =	rddreg [dreg:$0x1];
	_ =	strace $0x80000047  }
0x3: {  	s1 =	srdreg.scid;
	s3 =	stileid.u32;
	s2 =	simm.s32 $0x1  }
.Ltmp0:
0x4: {  	s31 =	simm.s32 $0x2;
	s9 =	simm.s32 $0x0;
	(pc) =	sbr.rel .LBB1_1-.Ltmp0, $4  }
0x5: {  	s10 =	simm.s32 $0x0;
	s7 =	simm.s32 $0x0;
	s1 =	sshll.u32 s1, $0x4  }
0x6: {  	s6 =	simm.s32 $0x0;
	s0 =	sadd.s32 $0x21600, s0;
	s1 =	sand.u32 $0x10, s1  }
0x7: {  	[sflag:s2] =	ssyncpa.u1 $0x0;
	[smem:$0x7FC] =	sst s0;
	s5 =	sor.u32 s3, s1  }
0x8: {  	[sflag:s31] =	ssyncpa.u1 $0x0;
	s8 =	smov.u32 s5;
	[smem:$0x7FD] =	sst s5  }
.LBB1_7:
0x9: {  	s0 =	sadd.s32 $0x8, s7  }
0xa: {  	s2 =	sadd.s32 $0x20, s8;
	s3 =	smov.u32 s8;
	p1 =	sgt.s32 s0, $0x17  }
0xb: {  	p0 =	slt.u32 s6, $0x2;
	s3 =	smov.u32 @p1 s2  }
0xc: {  	s6 =	sadd.s32 $0x1, s6;
	s0 =	simm.s32 @p1 $0x0;
	p1 =	sgt.s32 s3, $0x1FF  }
0xd: {  	s3 =	smov.u32 @p1 s5;
	p1 =	sne.s32 s6, $0x32  }
.Ltmp1:
0xe: {  	_ = 	snop;
	(pc) =	sbr.rel @!p1 .LBB1_8-.Ltmp1, $4  }
0xf: {  	s1 =	simm.s32 @!p0 $0x2  }
0x10: {  	_ =	swait.ge @!p0 [sflag:s1], $0x4000  }
0x11: {  	s9 =	smov.u32 s7;
	s10 =	smov.u32 s8;
	[sflag:s1] =	ssyncset.done @!p0 $0x0  }
0x12: {  	s7 =	smov.u32 s0;
	[sflag:s1] =	ssyncadd.s32 @!p0 $0xFFFFC000;
	s8 =	smov.u32 s3  }
.LBB1_1:
0x13: {  	p0 =	sgt.u32 s6, $0x2F  }
0x14: {  	s0 =	smul.u32 @!p0 $0x1800, s8  }
0x15: {  	s1 =	sxor.u32 @!p0 $0xFFFFFFFF, s6  }
0x16: {  	s2 =	sshll.u32 @!p0 s7, $0x8;
	s1 =	sshll.u32 @!p0 s1, $0xE;
	s0 =	sadd.s32 @!p0 s4, s0  }
0x17: {  	s1 =	sand.u32 @!p0 $0x4000, s1;
	s0 =	sadd.s32 @!p0 s2, s0;
	s2 =	simm.s32 @!p0 $0x0  }
0x18: {  	[tilespmem:s1], [sflag:$0x1] =	stream.linear.gather @!p0 [hbm4b:s0+s2], $0x4000, $0x38;
	[tilespmem:$0x10000] =	vst v63  }
0x19: {  	p0 =	seq.s32 s6, $0x0  }
0x1a: {  	p1 =	seq.s32 @!p0 s6, $0x31  }
0x1b: {  	p0 =	por p0, p1  }
.Ltmp2:
0x1c: {  	_ = 	snop;
	(pc) =	sbr.rel @p0 .LBB1_7-.Ltmp2, $1  }
0x1d: {  	_ =	sdelay $0x3  }
0x1e: {  	[smem:$0x7F6] =	sst s10  }
0x1f: {  	[smem:$0x7F7] =	sst s9  }
0x20: {  	[smem:$0x7F8] =	sst s8  }
0x21: {  	[smem:$0x7F9] =	sst s7;
	s1 =	simm.s32 $0x1  }
0x22: {  	s0 =	sshll.u32 s6, $0xE;
	_ =	swait.ge [sflag:s1], $0x4000  }
0x23: {  	s0 =	sand.u32 $0x4000, s0;
	[smem:$0x7FA] =	sst s6  }
0x24: {  	[sflag:s1] =	ssyncset.done $0x0;
	[dreg:$0xb] =	wrdreg s0;
	s0 =	sor.u32 $0x8000, s0  }
0x25: {  	s2 =	simm.s32 $0x0;
	[sflag:s1] =	ssyncadd.s32 $0xFFFFC000;
	[smem:$0x7FB] =	sst s0  }
.LBB1_3:
0x26: {  	s0 =	simm.s32 $0x0;
	[smem:$0x7E4] =	sst s2  }
0x27: {  	s3 =	simm.s32 $0x0;
	s6 =	sshll.u32 s2, $0xB;
	s30 =	rddreg [dreg:$0xb]  }
0x28: {  	s9 =	sld [smem:$0x7FB];
	s20 =	simm.s32 $0x840;
	s24 =	simm.s32 $0x420  }
0x29: {  	s1 =	sand.u32 $0x7FFFFC00, s0;
	s4 =	sand.u32 $0x100, s3;
	s2 =	sand.u32 $0x3FFFF800, s6  }
0x2a: {  	s0 =	sand.u32 $0x400, s0;
	s21 =	sand.u32 $0xC00, s20;
	s3 =	sand.u32 $0x200, s3  }
0x2b: {  	s1 =	sshrl.u32 s1, $0x2;
	s7 =	sshrl.u32 s4, $0x1;
	s0 =	sshrl.u32 s0, $0x2  }
0x2c: {  	s25 =	sor.u32 $0x20, s4;
	s11 =	sor.u32 $0x40, s4;
	s12 =	sor.u32 $0x60, s4  }
0x2d: {  	s13 =	sor.u32 $0x80, s4;
	s15 =	sor.u32 $0xA0, s4;
	s17 =	sor.u32 $0xC0, s4  }
0x2e: {  	s4 =	sor.u32 $0xE0, s4;
	s3 =	sshrl.u32 s3, $0x1;
	s5 =	sadd.s32 $0x600, s1  }
0x2f: {  	s27 =	sadd.s32 s2, s9;
	s10 =	sadd.s32 $0x200, s1;
	s1 =	sadd.s32 $0x400, s1  }
0x30: {  	s0 =	sadd.s32 s0, s30;
	s20 =	sshrl.u32 s25, $0x1;
	s14 =	sshrl.u32 s12, $0x1  }
0x31: {  	s15 =	sshrl.u32 s15, $0x1;
	s4 =	sshrl.u32 s4, $0x1;
	s8 =	sadd.s32 s5, s30  }
0x32: {  	s5 =	sadd.s32 s5, s27;
	s18 =	sadd.s32 s10, s30;
	s19 =	sadd.s32 s1, s30  }
0x33: {  	s12 =	sadd.s32 s20, s0;
	s28 =	sadd.s32 s15, s0;
	s1 =	sadd.s32 s1, s27  }
0x34: {  	s23 =	sadd.s32 s7, s8;
	s22 =	sadd.s32 s7, s5;
	s8 =	sshrl.u32 s21, $0x2  }
0x35: {  	s5 =	sand.u32 $0x120, s24;
	s21 =	sshrl.u32 s11, $0x1;
	s24 =	sshrl.u32 s17, $0x1  }
0x36: {  	s11 =	sadd.s32 s7, s0;
	s29 =	sadd.s32 s7, s18;
	[smem:$0x7E6] =	sst s28  }
0x37: {  	s17 =	sadd.s32 s14, s0;
	s1 =	sadd.s32 s7, s1;
	[smem:$0x7EA] =	sst s22  }
0x38: {  	s22 =	sshrl.u32 s13, $0x1;
	s31 =	sadd.s32 s24, s0;
	[smem:$0x7ED] =	sst s1  }
0x39: {  	s16 =	sadd.s32 s21, s0;
	s26 =	sadd.s32 s22, s0;
	[smem:$0x7E7] =	sst s31  }
0x3a: {  	s13 =	sadd.s32 s10, s27;
	s0 =	sadd.s32 s4, s0;
	[smem:$0x7E5] =	sst s26  }
0x3b: {  	s18 =	sadd.s32 s7, s13;
	[smem:$0x7E8] =	sst s0;
	s0 =	sadd.s32 s3, s27  }
0x3c: {  	s9 =	sadd.s32 s7, s19;
	[smem:$0x7EB] =	sst s18;
	s19 =	sadd.s32 s7, s0  }
0x3d: {  	s1 =	sadd.s32 s8, s30;
	s20 =	sadd.s32 s20, s0;
	[smem:$0x7EE] =	sst s19  }
0x3e: {  	s2 =	sshrl.u32 s5, $0x1;
	s21 =	sadd.s32 s21, s0;
	[smem:$0x7EF] =	sst s20  }
0x3f: {  	s10 =	simm.s32 $0x460;
	s25 =	sadd.s32 s14, s0;
	[smem:$0x7F0] =	sst s21  }
0x40: {  	s3 =	sadd.s32 s8, s27;
	s26 =	sadd.s32 s22, s0;
	[smem:$0x7F1] =	sst s25  }
0x41: {  	s8 =	simm.s32 $0x440;
	s28 =	sadd.s32 s15, s0;
	[smem:$0x7F2] =	sst s26  }
0x42: {  	s18 =	simm.s32 $0x900;
	s31 =	sadd.s32 s24, s0;
	[smem:$0x7F3] =	sst s28  }
0x43: {  	s0 =	sadd.s32 s4, s0;
	s24 =	sadd.s32 s2, s1;
	[smem:$0x7F4] =	sst s31  }
0x44: {  	s4 =	simm.s32 $0x880;
	s7 =	simm.s32 $0x8C0;
	[smem:$0x7F5] =	sst s0  }
0x45: {  	s0 =	sadd.s32 s2, s3;
	s5 =	sand.u32 $0xC00, s4;
	s1 =	sand.u32 $0xC00, s7  }
0x46: {  	s3 =	sand.u32 $0x140, s8;
	s4 =	sand.u32 $0x160, s10;
	s20 =	simm.s32 $0x940  }
0x47: {  	s21 =	sand.u32 $0xC00, s18;
	s25 =	simm.s32 $0x480;
	s31 =	simm.s32 $0x4A0  }
0x48: {  	s10 =	simm.s32 $0x980;
	s18 =	simm.s32 $0x4E0;
	[smem:$0x7E9] =	sst s0  }
0x49: {  	s0 =	sshrl.u32 s5, $0x2;
	s1 =	sshrl.u32 s1, $0x2;
	s3 =	sshrl.u32 s3, $0x1  }
0x4a: {  	s4 =	sshrl.u32 s4, $0x1;
	s22 =	sand.u32 $0xC00, s20;
	s13 =	sadd.s32 s0, s30  }
0x4b: {  	s0 =	sadd.s32 s0, s27;
	s14 =	sadd.s32 s1, s30;
	s15 =	sadd.s32 s1, s27  }
0x4c: {  	s1 =	sshrl.u32 s22, $0x2;
	s28 =	sadd.s32 s3, s13;
	s19 =	sadd.s32 s3, s0  }
0x4d: {  	s26 =	sadd.s32 s4, s14;
	s0 =	sadd.s32 s4, s15;
	s3 =	sand.u32 $0x180, s25  }
0x4e: {  	s4 =	sand.u32 $0x1A0, s31;
	s7 =	sadd.s32 s1, s30;
	s8 =	sadd.s32 s1, s27  }
0x4f: {  	s13 =	simm.s32 $0x9C0;
	s15 =	simm.s32 $0x4C0;
	[smem:$0x7EC] =	sst s0  }
0x50: {  	s0 =	sshrl.u32 s21, $0x2;
	s3 =	sshrl.u32 s3, $0x1;
	s4 =	sshrl.u32 s4, $0x1  }
0x51: {  	s1 =	sand.u32 $0xC00, s13;
	s13 =	simm.s32 $0x820;
	s2 =	sadd.s32 s0, s30  }
0x52: {  	s0 =	sadd.s32 s0, s27;
	s14 =	sadd.s32 s4, s7;
	s7 =	sadd.s32 s4, s8  }
0x53: {  	s1 =	sshrl.u32 s1, $0x2;
	s4 =	sand.u32 $0x1E0, s18;
	s18 =	simm.s32 $0x840  }
0x54: {  	s25 =	sadd.s32 s3, s2;
	s22 =	sadd.s32 s3, s0;
	s0 =	sand.u32 $0xC00, s10  }
0x55: {  	s3 =	sand.u32 $0x1C0, s15;
	s21 =	sshrl.u32 s4, $0x1;
	s31 =	sadd.s32 s1, s30  }
0x56: {  	s1 =	sadd.s32 s1, s27;
	s4 =	simm.s32 $0x1040;
	s10 =	simm.s32 $0x1080  }
0x57: {  	s0 =	sshrl.u32 s0, $0x2;
	s3 =	sshrl.u32 s3, $0x1;
	s15 =	sadd.s32 s21, s31  }
0x58: {  	s5 =	sand.u32 $0x1400, s4;
	s4 =	sand.u32 $0x140, s18;
	s20 =	sadd.s32 s0, s30  }
0x59: {  	s0 =	sadd.s32 s0, s27;
	s4 =	sshrl.u32 s4, $0x1;
	s8 =	sadd.s32 s3, s20  }
0x5a: {  	s2 =	sadd.s32 s3, s0;
	s0 =	sadd.s32 s21, s1;
	s1 =	sand.u32 $0x1400, s10  }
0x5b: {  	s3 =	sand.u32 $0x120, s13;
	s13 =	simm.s32 $0x1100;
	[dreg:$0x5] =	wrdreg s0  }
0x5c: {  	s0 =	sshrl.u32 s5, $0x2;
	s1 =	sshrl.u32 s1, $0x2;
	s20 =	sshrl.u32 s3, $0x1  }
0x5d: {  	s3 =	simm.s32 $0x10C0;
	s21 =	sadd.s32 s0, s30;
	s0 =	sadd.s32 s0, s27  }
0x5e: {  	s31 =	sadd.s32 s1, s30;
	s1 =	sadd.s32 s1, s27;
	s10 =	sadd.s32 s20, s21  }
0x5f: {  	s0 =	sadd.s32 s20, s0;
	s5 =	sadd.s32 s4, s31;
	s20 =	sand.u32 $0x1400, s3  }
0x60: {  	s21 =	sand.u32 $0x1400, s13;
	s31 =	simm.s32 $0x860;
	s3 =	simm.s32 $0x880  }
0x61: {  	[dreg:$0x6] =	wrdreg s0;
	s0 =	sadd.s32 s4, s1;
	s1 =	sshrl.u32 s21, $0x2  }
0x62: {  	s4 =	sand.u32 $0x160, s31;
	s18 =	sand.u32 $0x180, s3;
	[dreg:$0x7] =	wrdreg s0  }
0x63: {  	s0 =	sshrl.u32 s20, $0x2;
	s4 =	sshrl.u32 s4, $0x1;
	s13 =	sshrl.u32 s18, $0x1  }
0x64: {  	v0 =	vmov s6;
	s31 =	sadd.s32 s1, s30;
	s1 =	sadd.s32 s1, s27;
	s20 =	sadd.s32 s0, s30  }
0x65: {  	s0 =	sadd.s32 s0, s27;
	s3 =	sadd.s32 s13, s31;
	s21 =	sadd.s32 s13, s1  }
0x66: {  	s31 =	simm.s32 $0x1140;
	s1 =	simm.s32 $0x8A0;
	s13 =	simm.s32 $0x8C0  }
0x67: {  	s18 =	sadd.s32 s4, s20;
	s0 =	sadd.s32 s4, s0;
	[dreg:$0x8] =	wrdreg s21  }
0x68: {  	s4 =	smov.u32 s2;
	s6 =	sand.u32 $0x1400, s31;
	[dreg:$0x9] =	wrdreg s0  }
0x69: {  	s2 =	sand.u32 $0x1A0, s1;
	s1 =	sand.u32 $0x1C0, s13;
	s0 =	simm.s32 $0x1180;
	v9 =	vld.idx.msk [tilespmem:v0+s23+$0x0 ss:$0x1], $0xffff  }
0x6a: {  	s6 =	sshrl.u32 s6, $0x2;
	s31 =	sshrl.u32 s2, $0x1;
	s21 =	sand.u32 $0x1400, s0;
	v11 =	vld.idx.msk [tilespmem:v0+s9+$0x0 ss:$0x1], $0xffff  }
0x6b: {  	s20 =	sadd.s32 s6, s30;
	s23 =	sshrl.u32 s1, $0x1;
	s1 =	simm.s32 $0x11C0;
	v12 =	vld.idx.msk [tilespmem:v0+s11+$0x0 ss:$0x1], $0xffff  }
0x6c: {  	s9 =	simm.s32 $0x1840;
	v13 =	vld.idx.msk [tilespmem:v0+s12+$0x0 ss:$0x1], $0xffff;
	s11 =	simm.s32 $0x8E0;
	s12 =	simm.s32 $0xC20  }
0x6d: {  	v14 =	vld.idx.msk [tilespmem:v0+s16+$0x0 ss:$0x1], $0xffff;
	s16 =	sld [smem:$0x7E5];
	s0 =	sshrl.u32 s21, $0x2;
	s21 =	sadd.s32 s31, s20  }
0x6e: {  	s20 =	sadd.s32 s6, s27;
	s6 =	smov.u32 s7;
	s7 =	sand.u32 $0x1400, s1  }
0x6f: {  	s2 =	sand.u32 $0x1C00, s9;
	s9 =	sand.u32 $0x1E0, s11;
	s11 =	sand.u32 $0x120, s12  }
0x70: {  	s1 =	sld [smem:$0x7E7];
	s13 =	sadd.s32 s31, s20;
	s31 =	sadd.s32 s0, s30  }
0x71: {  	s0 =	sadd.s32 s0, s27;
	s2 =	sshrl.u32 s2, $0x2;
	s20 =	sld [smem:$0x7E6]  }
0x72: {  	v10 =	vld.idx.msk [tilespmem:v0+s29+$0x0 ss:$0x1], $0xffff;
	s9 =	sshrl.u32 s9, $0x1;
	s31 =	sadd.s32 s23, s31;
	s29 =	sadd.s32 s23, s0  }
0x73: {  	v15 =	vld.idx.msk [tilespmem:v0+s17+$0x0 ss:$0x1], $0xffff;
	s0 =	sshrl.u32 s7, $0x2;
	s23 =	sshrl.u32 s11, $0x1;
	s7 =	sadd.s32 s2, s30  }
0x74: {  	s11 =	smov.u32 s19;
	s2 =	sadd.s32 s2, s27;
	v17 =	vld.idx.msk [tilespmem:v0+s20+$0x0 ss:$0x1], $0xffff;
	s20 =	sld [smem:$0x7E8]  }
0x75: {  	v1 =	vld.idx.msk [tilespmem:v0+s24+$0x0 ss:$0x1], $0xffff;
	s17 =	sadd.s32 s0, s30;
	s0 =	sadd.s32 s0, s27;
	s12 =	sadd.s32 s23, s7  }
0x76: {  	v16 =	vld.idx.msk [tilespmem:v0+s16+$0x0 ss:$0x1], $0xffff;
	s17 =	sadd.s32 s9, s17;
	s16 =	sadd.s32 s9, s0;
	s9 =	simm.s32 $0x1880  }
0x77: {  	s9 =	sand.u32 $0x1C00, s9;
	v19 =	vld.idx.msk [tilespmem:v0+s20+$0x0 ss:$0x1], $0xffff;
	s20 =	sadd.s32 s23, s2;
	s23 =	simm.s32 $0xC40  }
0x78: {  	s19 =	simm.s32 $0x18C0;
	v18 =	vld.idx.msk [tilespmem:v0+s1+$0x0 ss:$0x1], $0xffff;
	s0 =	sshrl.u32 s9, $0x2;
	s1 =	sand.u32 $0x140, s23  }
0x79: {  	v3 =	vld.idx.msk [tilespmem:v0+s26+$0x0 ss:$0x1], $0xffff;
	s19 =	sand.u32 $0x1C00, s19;
	s26 =	sadd.s32 s0, s30;
	s1 =	sshrl.u32 s1, $0x1  }
0x7a: {  	v2 =	vld.idx.msk [tilespmem:v0+s28+$0x0 ss:$0x1], $0xffff;
	s2 =	sshrl.u32 s19, $0x2;
	s19 =	sadd.s32 s1, s26;
	s26 =	sld [smem:$0x7EA]  }
0x7b: {  	s24 =	simm.s32 $0xC60;
	v6 =	vld.idx.msk [tilespmem:v0+s8+$0x0 ss:$0x1], $0xffff;
	s8 =	sld [smem:$0x7E9];
	s0 =	sadd.s32 s0, s27  }
0x7c: {  	v4 =	vld.idx.msk [tilespmem:v0+s25+$0x0 ss:$0x1], $0xffff;
	s23 =	sand.u32 $0x160, s24;
	s28 =	sadd.s32 s2, s30;
	s24 =	simm.s32 $0xC80  }
0x7d: {  	v5 =	vld.idx.msk [tilespmem:v0+s14+$0x0 ss:$0x1], $0xffff;
	s23 =	sshrl.u32 s23, $0x1;
	s25 =	sand.u32 $0x180, s24;
	s14 =	sadd.s32 s1, s0;
	[tilespmem:s26+$0x0] =	vst v9  }
0x7e: {  	s0 =	sadd.s32 s23, s28;
	s28 =	sshrl.u32 s25, $0x1;
	s25 =	sld [smem:$0x7EB]  }
0x7f: {  	_ =	sdelay $0x1  }
0x80: {  	[tilespmem:s25+$0x0] =	vst v10  }
0x81: {  	s26 =	sld [smem:$0x7ED];
	_ =	sdelay $0x2  }
0x82: {  	s2 =	sadd.s32 s2, s27;
	s1 =	simm.s32 $0x1900;
	v10 =	vld.idx.msk [tilespmem:v0+s18+$0x0 ss:$0x1], $0xffff;
	s18 =	sld [smem:$0x7EC];
	[tilespmem:s26+$0x0] =	vst v11  }
0x83: {  	s23 =	sadd.s32 s23, s2;
	s2 =	sand.u32 $0x1C00, s1;
	s1 =	sld [smem:$0x7EE]  }
0x84: {  	_ =	sdelay $0x1  }
0x85: {  	[tilespmem:s1+$0x0] =	vst v12  }
0x86: {  	s1 =	sld [smem:$0x7EF];
	_ =	sdelay $0x2  }
0x87: {  	[tilespmem:s1+$0x0] =	vst v13  }
0x88: {  	s1 =	sld [smem:$0x7F0];
	_ =	sdelay $0x2  }
0x89: {  	[tilespmem:s1+$0x0] =	vst v14  }
0x8a: {  	s1 =	sld [smem:$0x7F1];
	_ =	sdelay $0x2  }
0x8b: {  	[tilespmem:s1+$0x0] =	vst v15  }
0x8c: {  	v8 =	vld.idx.msk [tilespmem:v0+s10+$0x0 ss:$0x1], $0xffff;
	s10 =	simm.s32 $0xCA0;
	s7 =	simm.s32 $0x1940;
	s1 =	sld [smem:$0x7F2]  }
0x8d: {  	v7 =	vld.idx.msk [tilespmem:v0+s15+$0x0 ss:$0x1], $0xffff;
	s15 =	sand.u32 $0x1A0, s10;
	s9 =	sand.u32 $0x1C00, s7;
	s2 =	sshrl.u32 s2, $0x2  }
0x8e: {  	s7 =	sshrl.u32 s9, $0x2;
	s24 =	sadd.s32 s2, s30;
	s2 =	sadd.s32 s2, s27  }
0x8f: {  	s9 =	sadd.s32 s28, s24;
	s10 =	sadd.s32 s28, s2;
	s28 =	sshrl.u32 s15, $0x1;
	[tilespmem:s1+$0x0] =	vst v16  }
0x90: {  	s15 =	sadd.s32 s7, s30;
	s24 =	sadd.s32 s7, s27;
	s1 =	sld [smem:$0x7F3]  }
0x91: {  	v9 =	vld.idx.msk [tilespmem:v0+s5+$0x0 ss:$0x1], $0xffff;
	s5 =	sadd.s32 s28, s15;
	s15 =	sadd.s32 s28, s24;
	s25 =	simm.s32 $0x1980  }
0x92: {  	s28 =	simm.s32 $0xCC0;
	s26 =	sand.u32 $0x1C00, s25;
	v13 =	vld.idx.msk [tilespmem:v0+s31+$0x0 ss:$0x1], $0xffff;
	s31 =	simm.s32 $0x670  }
0x93: {  	s7 =	sand.u32 $0x1C0, s28;
	s2 =	sshrl.u32 s26, $0x2;
	v14 =	vld.idx.msk [tilespmem:v0+s17+$0x0 ss:$0x1], $0xffff;
	s17 =	sand.u32 $0x700, s31;
	[tilespmem:s1+$0x0] =	vst v17  }
0x94: {  	s24 =	sadd.s32 s2, s30;
	s28 =	sadd.s32 s17, s30;
	s30 =	sld [smem:$0x7F4]  }
0x95: {  	v11 =	vld.idx.msk [tilespmem:v0+s3+$0x0 ss:$0x1], $0xffff  }
0x96: {  	v12 =	vld.idx.msk [tilespmem:v0+s21+$0x0 ss:$0x1], $0xffff  }
0x97: {  	s7 =	sshrl.u32 s7, $0x1;
	s25 =	simm.s32 $0x670;
	v15 =	vld.idx.msk [tilespmem:v0+s12+$0x0 ss:$0x1], $0xffff;
	[tilespmem:s30+$0x0] =	vst v18  }
0x98: {  	s3 =	simm.s32 $0x0;
	s26 =	sand.u32 $0xF0, s25;
	v16 =	vld.idx.msk [tilespmem:v0+s19+$0x0 ss:$0x1], $0xffff;
	s31 =	sld [smem:$0x7F5]  }
0x99: {  	s2 =	sadd.s32 s2, s27;
	s21 =	sadd.s32 s7, s24;
	s12 =	sadd.s32 s17, s27;
	v17 =	vld.idx.msk [tilespmem:v0+s0+$0x0 ss:$0x1], $0xffff  }
0x9a: {  	s17 =	simm.s32 $0xCE0;
	s19 =	simm.s32 $0x1BC0;
	v18 =	vld.idx.msk [tilespmem:v0+s9+$0x0 ss:$0x1], $0xffff;
	[dreg:$0xd] =	wrdreg s27  }
0x9b: {  	s0 =	sadd.s32 s7, s2;
	s27 =	sadd.s32 s26, s28;
	[tilespmem:s31+$0x0] =	vst v19;
	v19 =	vld.idx.msk [tilespmem:v0+s5+$0x0 ss:$0x1], $0xffff;
	s5 =	sadd.s32 s26, s12  }
.LBB1_4:
0x9c: {  	[smem:$0x760] =	sst s14  }
0x9d: {  	[smem:$0x75F] =	sst s20  }
0x9e: {  	[smem:$0x761] =	sst s23  }
0x9f: {  	[smem:$0x762] =	sst s15  }
0xa0: {  	[smem:$0x763] =	sst s0  }
0xa1: {  	[smem:$0x764] =	sst s5  }
0xa2: {  	s2 =	sadd.s32 $0xFFFFE640, s19;
	s5 =	sadd.s32 $0xFFFFEE80, s19;
	s15 =	rddreg [dreg:$0xb]  }
0xa3: {  	s3 =	sadd.s32 $0x2, s3;
	s17 =	sadd.s32 $0x100, s17;
	[tilespmem:s18+$0x0] =	vst v3;
	s18 =	rddreg [dreg:$0x5]  }
0xa4: {  	s14 =	smov.u32 s22;
	s1 =	sadd.s32 $0xFFFFEEC0, s19;
	[dreg:$0x3] =	wrdreg s3  }
0xa5: {  	s23 =	sadd.s32 $0xFFFFEF40, s19;
	s25 =	sadd.s32 $0xFFFFEFC0, s19;
	[smem:$0x75E] =	sst s1  }
0xa6: {  	[tilespmem:s11+$0x0] =	vst v2;
	v2 =	vld.idx.msk [tilespmem:v0+s27+$0x0 ss:$0x1], $0xffff;
	s27 =	smov.u32 s16;
	s16 =	sadd.s32 $0xFFFFF000, s19;
	s1 =	rddreg [dreg:$0x7]  }
0xa7: {  	p0 =	slt.u32 s3, $0x6;
	s11 =	sadd.s32 $0xFFFFF320, s17;
	s3 =	rddreg [dreg:$0x9]  }
0xa8: {  	[tilespmem:s8+$0x0] =	vst v1;
	s7 =	sadd.s32 $0xFFFFF740, s19;
	s9 =	sadd.s32 $0xFFFFFEC0, s19;
	[dreg:$0x4] =	wrdreg s11  }
0xa9: {  	s8 =	sadd.s32 $0xFFFFFF00, s19;
	s12 =	sand.u32 $0x7FFFFC00, s2;
	[tilespmem:s14+$0x0] =	vst v4;
	v1 =	vld.idx.msk [tilespmem:v0+s21+$0x0 ss:$0x1], $0xffff;
	s21 =	rddreg [dreg:$0x6]  }
0xaa: {  	s14 =	sadd.s32 $0xFFFFEF80, s19;
	s5 =	sand.u32 $0xC00, s5;
	[tilespmem:s1+$0x0] =	vst v9;
	s1 =	rddreg [dreg:$0x8]  }
0xab: {  	s23 =	sand.u32 $0xC00, s23;
	s20 =	sshrl.u32 s12, $0x2;
	[smem:$0x765] =	sst s5  }
0xac: {  	s5 =	sand.u32 $0xC00, s14;
	s14 =	sand.u32 $0xC00, s25;
	s25 =	sand.u32 $0xC00, s16  }
0xad: {  	s16 =	sand.u32 $0x1C00, s8;
	[tilespmem:s1+$0x0] =	vst v11;
	s1 =	sand.u32 $0x400, s2;
	s2 =	sld [smem:$0x75E]  }
0xae: {  	[tilespmem:s29+$0x0] =	vst v13;
	s12 =	sand.u32 $0x100, s11;
	s29 =	sshrl.u32 s23, $0x2;
	[smem:$0x76B] =	sst s16  }
0xaf: {  	[tilespmem:s27+$0x0] =	vst v14;
	s27 =	sand.u32 $0x1400, s7;
	s0 =	sshrl.u32 s12, $0x1;
	[smem:$0x7B6] =	sst s29  }
0xb0: {  	s11 =	sadd.s32 $0xFFFFFE80, s19;
	s22 =	sadd.s32 $0x600, s20;
	[dreg:$0xa] =	wrdreg s0  }
0xb1: {  	s7 =	sand.u32 $0x1C00, s11;
	s24 =	sadd.s32 s22, s15;
	s15 =	rddreg [dreg:$0xd]  }
0xb2: {  	[tilespmem:s3+$0x0] =	vst v10;
	s3 =	sadd.s32 $0xFFFFFFC0, s19;
	s11 =	sand.u32 $0x1C00, s9;
	[smem:$0x769] =	sst s7  }
0xb3: {  	s8 =	sand.u32 $0x1C00, s3;
	[smem:$0x76A] =	sst s11  }
0xb4: {  	s9 =	sadd.s32 $0xFFFFF780, s17;
	[smem:$0x770] =	sst s8  }
0xb5: {  	s16 =	sadd.s32 $0xFFFFF7E0, s17;
	[smem:$0x771] =	sst s9  }
0xb6: {  	s3 =	sadd.s32 $0xFFFFFB80, s17;
	[smem:$0x774] =	sst s16  }
0xb7: {  	[smem:$0x778] =	sst s3  }
0xb8: {  	s7 =	sadd.s32 $0xFFFFF760, s17;
	s23 =	sld [smem:$0x76B]  }
0xb9: {  	[tilespmem:s21+$0x0] =	vst v8;
	s21 =	smov.u32 s10;
	s11 =	sadd.s32 $0xFFFFF7C0, s17;
	[smem:$0x76F] =	sst s7  }
0xba: {  	[tilespmem:s21+$0x0] =	vst v18;
	s21 =	sadd.s32 $0xFFFFFB40, s17;
	[smem:$0x773] =	sst s11  }
0xbb: {  	s31 =	smov.u32 s13;
	s9 =	sadd.s32 $0xFFFFFFA0, s17;
	[smem:$0x776] =	sst s21  }
0xbc: {  	[tilespmem:s6+$0x0] =	vst v5;
	s6 =	sadd.s32 $0xFFFFF7C0, s19;
	s1 =	sshrl.u32 s1, $0x2;
	[smem:$0x77B] =	sst s9  }
0xbd: {  	s13 =	sadd.s32 $0xFFFFF800, s19;
	s3 =	sor.u32 $0x20, s12;
	[smem:$0x77F] =	sst s1  }
0xbe: {  	[tilespmem:s31+$0x0] =	vst v12;
	s7 =	sadd.s32 $0xFFFFFF80, s17;
	[smem:$0x780] =	sst s3;
	s31 =	sand.u32 $0xC00, s2  }
0xbf: {  	s2 =	sand.u32 $0x1400, s6;
	s6 =	sand.u32 $0x1400, s13;
	s13 =	sld [smem:$0x760]  }
0xc0: {  	s21 =	sshrl.u32 s19, $0x2;
	[smem:$0x77A] =	sst s7  }
0xc1: {  	s28 =	sadd.s32 $0xFFFFF6C0, s19;
	s9 =	sor.u32 $0xA0, s12;
	[smem:$0x77E] =	sst s21  }
0xc2: {  	s28 =	sand.u32 $0x1400, s28;
	[smem:$0x784] =	sst s9  }
0xc3: {  	s8 =	sadd.s32 $0xFFFFFBC0, s17;
	s3 =	sshrl.u32 s28, $0x2;
	s21 =	sld [smem:$0x765]  }
0xc4: {  	s8 =	sand.u32 $0x1A0, s8;
	[smem:$0x7BB] =	sst s3  }
0xc5: {  	[smem:$0x792] =	sst s8  }
0xc6: {  	s24 =	sadd.s32 s0, s24;
	s22 =	sadd.s32 s22, s15;
	[smem:$0x767] =	sst s2  }
0xc7: {  	s22 =	sadd.s32 s0, s22;
	s0 =	sadd.s32 $0x200, s20;
	[smem:$0x768] =	sst s6  }
0xc8: {  	[tilespmem:s18+$0x0] =	vst v7;
	s18 =	sadd.s32 $0xFFFFFF80, s19;
	s7 =	sor.u32 $0x80, s12;
	[dreg:$0x16] =	wrdreg s0  }
0xc9: {  	s2 =	sand.u32 $0x1C00, s18;
	[smem:$0x783] =	sst s7  }
0xca: {  	s6 =	sadd.s32 $0xFFFFF740, s17;
	[smem:$0x76D] =	sst s2  }
0xcb: {  	s30 =	sadd.s32 $0xFFFFEF00, s19;
	s18 =	sadd.s32 $0xFFFFF800, s17;
	[smem:$0x76E] =	sst s6  }
0xcc: {  	s30 =	sand.u32 $0xC00, s30;
	[smem:$0x775] =	sst s18  }
0xcd: {  	s7 =	sshrl.u32 s30, $0x2;
	s6 =	sld [smem:$0x764]  }
0xce: {  	[smem:$0x7B5] =	sst s7  }
0xcf: {  	s28 =	sld [smem:$0x767]  }
0xd0: {  	v3 =	vld.idx.msk [tilespmem:v0+s24+$0x0 ss:$0x1], $0xffff;
	s24 =	sadd.s32 $0xFFFFF700, s19;
	s30 =	sld [smem:$0x768]  }
0xd1: {  	s24 =	sand.u32 $0x1400, s24;
	s2 =	sadd.s32 $0xFFFFFB60, s17;
	[tilespmem:s13+$0x0] =	vst v16;
	s13 =	sld [smem:$0x762]  }
0xd2: {  	s9 =	sshrl.u32 s24, $0x2;
	[smem:$0x777] =	sst s2  }
0xd3: {  	s24 =	sshrl.u32 s27, $0x2;
	[dreg:$0x1f] =	wrdreg s9  }
0xd4: {  	s18 =	sadd.s32 $0xFFFFFC00, s17;
	[smem:$0x7BC] =	sst s24  }
0xd5: {  	s2 =	sld [smem:$0x769];
	s18 =	sand.u32 $0x1E0, s18  }
0xd6: {  	[tilespmem:s4+$0x0] =	vst v6;
	s4 =	sadd.s32 $0xFFFFF780, s19;
	[smem:$0x794] =	sst s18  }
0xd7: {  	[tilespmem:s22+$0x0] =	vst v3;
	s22 =	sand.u32 $0x1400, s4;
	s4 =	sld [smem:$0x75F]  }
0xd8: {  	s10 =	sadd.s32 $0xFFFFFF40, s19;
	[tilespmem:s6+$0x0] =	vst v2;
	s6 =	sor.u32 $0x60, s12;
	[smem:$0x766] =	sst s22  }
0xd9: {  	s22 =	sand.u32 $0x1C00, s10;
	[smem:$0x782] =	sst s6  }
0xda: {  	s10 =	sadd.s32 $0xFFFFF7A0, s17;
	[smem:$0x76C] =	sst s22  }
0xdb: {  	[smem:$0x772] =	sst s10  }
0xdc: {  	s26 =	sadd.s32 $0xFFFFF680, s19;
	[tilespmem:s13+$0x0] =	vst v19;
	s13 =	sadd.s32 $0xFFFFFFE0, s17;
	s22 =	sld [smem:$0x763]  }
0xdd: {  	s26 =	sand.u32 $0x1400, s26;
	s6 =	sshrl.u32 s31, $0x2;
	[smem:$0x77D] =	sst s13  }
0xde: {  	s31 =	sshrl.u32 s26, $0x2;
	[smem:$0x7B4] =	sst s6  }
0xdf: {  	[smem:$0x7BA] =	sst s31  }
0xe0: {  	s26 =	sld [smem:$0x766]  }
0xe1: {  	s10 =	sadd.s32 $0xFFFFFFC0, s17;
	[tilespmem:s4+$0x0] =	vst v15;
	s4 =	sld [smem:$0x761]  }
0xe2: {  	s13 =	sadd.s32 $0x400, s20;
	[smem:$0x77C] =	sst s10  }
0xe3: {  	s20 =	sor.u32 $0xE0, s12;
	[dreg:$0x15] =	wrdreg s13  }
0xe4: {  	[smem:$0x786] =	sst s20  }
0xe5: {  	s10 =	sor.u32 $0xC0, s12;
	s20 =	sshrl.u32 s25, $0x2;
	s25 =	sld [smem:$0x76C]  }
0xe6: {  	[smem:$0x785] =	sst s10  }
0xe7: {  	[smem:$0x7B9] =	sst s20  }
0xe8: {  	s18 =	sld [smem:$0x77C]  }
0xe9: {  	s10 =	sshrl.u32 s26, $0x2;
	s26 =	sshrl.u32 s30, $0x2;
	s30 =	sld [smem:$0x76D]  }
0xea: {  	s11 =	sadd.s32 $0xFFFFFF40, s17;
	[tilespmem:s22+$0x0] =	vst v1;
	[smem:$0x7BD] =	sst s10  }
0xeb: {  	s22 =	sadd.s32 $0xFFFFFBE0, s17;
	[tilespmem:s4+$0x0] =	vst v17;
	s4 =	sadd.s32 $0xFFFFFBA0, s17;
	[dreg:$0x1d] =	wrdreg s26  }
0xec: {  	s8 =	sand.u32 $0x1C0, s22;
	s22 =	sand.u32 $0x120, s11;
	s11 =	sld [smem:$0x77A]  }
0xed: {  	[smem:$0x779] =	sst s4;
	s4 =	sor.u32 $0x40, s12  }
0xee: {  	s25 =	sshrl.u32 s25, $0x2;
	[smem:$0x781] =	sst s4  }
0xef: {  	s4 =	sshrl.u32 s5, $0x2;
	s5 =	sshrl.u32 s14, $0x2;
	s14 =	sld [smem:$0x76A]  }
0xf0: {  	s12 =	sshrl.u32 s21, $0x2;
	[dreg:$0x1a] =	wrdreg s25  }
0xf1: {  	s21 =	sshrl.u32 s28, $0x2;
	s28 =	sshrl.u32 s2, $0x2;
	s2 =	sld [smem:$0x76E]  }
0xf2: {  	[smem:$0x793] =	sst s8;
	s27 =	sshrl.u32 s14, $0x2  }
0xf3: {  	s14 =	sshrl.u32 s23, $0x2;
	s23 =	sshrl.u32 s30, $0x2;
	s30 =	sld [smem:$0x76F]  }
0xf4: {  	[smem:$0x795] =	sst s22  }
0xf5: {  	s1 =	sand.u32 $0x120, s2;
	s2 =	sld [smem:$0x770]  }
0xf6: {  	[smem:$0x787] =	sst s1;
	s1 =	sand.u32 $0x140, s30  }
0xf7: {  	[smem:$0x788] =	sst s1  }
0xf8: {  	s16 =	sadd.s32 $0xFFFFFF60, s17;
	s1 =	sshrl.u32 s2, $0x2;
	s2 =	sld [smem:$0x771]  }
0xf9: {  	s8 =	sand.u32 $0x140, s16;
	s16 =	sld [smem:$0x77B]  }
0xfa: {  	s22 =	sld [smem:$0x77D]  }
0xfb: {  	[smem:$0x7B3] =	sst s12;
	s2 =	sand.u32 $0x160, s2  }
0xfc: {  	[smem:$0x789] =	sst s2  }
0xfd: {  	s2 =	sld [smem:$0x772]  }
0xfe: {  	[dreg:$0x1c] =	wrdreg s21  }
0xff: {  	[dreg:$0x1e] =	wrdreg s28  }
0x100: {  	[smem:$0x796] =	sst s8;
	s2 =	sand.u32 $0x180, s2  }
0x101: {  	[smem:$0x78A] =	sst s2  }
0x102: {  	s2 =	sld [smem:$0x773]  }
0x103: {  	s8 =	sld [smem:$0x77E]  }
0x104: {  	[smem:$0x7B7] =	sst s4  }
0x105: {  	[smem:$0x7B8] =	sst s5;
	s2 =	sand.u32 $0x1A0, s2  }
0x106: {  	[smem:$0x78B] =	sst s2  }
0x107: {  	s2 =	sld [smem:$0x774]  }
0x108: {  	[dreg:$0x18] =	wrdreg s27  }
0x109: {  	[dreg:$0x19] =	wrdreg s14  }
0x10a: {  	[dreg:$0x17] =	wrdreg s23;
	s2 =	sand.u32 $0x1C0, s2  }
0x10b: {  	[smem:$0x78C] =	sst s2  }
0x10c: {  	s2 =	sld [smem:$0x775]  }
0x10d: {  	s30 =	rddreg [dreg:$0xb]  }
0x10e: {  	s0 =	sadd.s32 s0, s30;
	[dreg:$0x1b] =	wrdreg s1  }
0x10f: {  	[smem:$0x79C] =	sst s0;
	s2 =	sand.u32 $0x1E0, s2  }
0x110: {  	[smem:$0x78D] =	sst s2  }
0x111: {  	s6 =	sadd.s32 s6, s30;
	s2 =	sld [smem:$0x776]  }
0x112: {  	s4 =	sadd.s32 s4, s30;
	[smem:$0x79F] =	sst s6  }
0x113: {  	s20 =	sadd.s32 s20, s30;
	[smem:$0x7A2] =	sst s4  }
0x114: {  	[smem:$0x7A4] =	sst s20;
	s2 =	sand.u32 $0x120, s2  }
0x115: {  	[smem:$0x78E] =	sst s2  }
0x116: {  	s3 =	sadd.s32 s3, s30;
	s2 =	sld [smem:$0x777]  }
0x117: {  	[smem:$0x7A6] =	sst s3  }
0x118: {  	s4 =	sadd.s32 s24, s30;
	s3 =	sld [smem:$0x792]  }
0x119: {  	[smem:$0x7A8] =	sst s4;
	s2 =	sand.u32 $0x140, s2  }
0x11a: {  	[smem:$0x78F] =	sst s2  }
0x11b: {  	s6 =	sadd.s32 s21, s30;
	s2 =	sld [smem:$0x778]  }
0x11c: {  	s1 =	sadd.s32 s1, s30;
	[smem:$0x7AA] =	sst s6  }
0x11d: {  	[smem:$0x7B1] =	sst s1  }
0x11e: {  	s4 =	sld [smem:$0x793];
	s2 =	sand.u32 $0x160, s2  }
0x11f: {  	[smem:$0x790] =	sst s2  }
0x120: {  	s2 =	sld [smem:$0x779]  }
0x121: {  	s20 =	sld [smem:$0x78A]  }
0x122: {  	s21 =	sld [smem:$0x78B]  }
0x123: {  	s24 =	sld [smem:$0x78E];
	s2 =	sand.u32 $0x180, s2  }
0x124: {  	[smem:$0x791] =	sst s2  }
0x125: {  	s2 =	sand.u32 $0x160, s11;
	s11 =	sld [smem:$0x77F]  }
0x126: {  	[smem:$0x797] =	sst s2  }
0x127: {  	s2 =	sand.u32 $0x180, s16;
	s16 =	sld [smem:$0x780]  }
0x128: {  	[smem:$0x798] =	sst s2  }
0x129: {  	s2 =	sand.u32 $0x1A0, s18;
	s18 =	sadd.s32 s13, s30;
	s13 =	sld [smem:$0x783]  }
0x12a: {  	[smem:$0x799] =	sst s2  }
0x12b: {  	[smem:$0x79D] =	sst s18  }
0x12c: {  	s2 =	sand.u32 $0x1C0, s22;
	s22 =	sld [smem:$0x781]  }
0x12d: {  	s0 =	sadd.s32 s11, s30;
	s11 =	sld [smem:$0x782]  }
0x12e: {  	[smem:$0x79A] =	sst s2;
	s2 =	sshrl.u32 s17, $0x1  }
0x12f: {  	[smem:$0x79B] =	sst s2;
	s2 =	sand.u32 $0x700, s8  }
0x130: {  	s8 =	sshrl.u32 s16, $0x1;
	s16 =	sshrl.u32 s13, $0x1;
	s13 =	sld [smem:$0x785]  }
0x131: {  	[smem:$0x7C0] =	sst s2  }
0x132: {  	[dreg:$0xc] =	wrdreg s8  }
0x133: {  	s8 =	sshrl.u32 s22, $0x1;
	[dreg:$0xe] =	wrdreg s16  }
0x134: {  	s18 =	sshrl.u32 s11, $0x1;
	s22 =	sld [smem:$0x784];
	s11 =	sadd.s32 s12, s30  }
0x135: {  	s12 =	sadd.s32 s7, s30;
	s7 =	sadd.s32 s26, s30;
	s26 =	sld [smem:$0x790]  }
0x136: {  	[dreg:$0x12] =	wrdreg s8  }
0x137: {  	[smem:$0x7C2] =	sst s18  }
0x138: {  	[smem:$0x79E] =	sst s11  }
0x139: {  	[smem:$0x7A0] =	sst s12  }
0x13a: {  	[smem:$0x7AB] =	sst s7  }
0x13b: {  	s12 =	sld [smem:$0x787]  }
0x13c: {  	s11 =	sadd.s32 s25, s30;
	s25 =	sld [smem:$0x78F]  }
0x13d: {  	s7 =	sshrl.u32 s21, $0x1;
	s21 =	sld [smem:$0x797]  }
0x13e: {  	[smem:$0x7AF] =	sst s11  }
0x13f: {  	s16 =	sshrl.u32 s13, $0x1;
	[smem:$0x7CA] =	sst s7  }
0x140: {  	[dreg:$0xf] =	wrdreg s16  }
0x141: {  	s13 =	sadd.s32 s29, s30;
	s8 =	sshrl.u32 s22, $0x1;
	s22 =	sld [smem:$0x786]  }
0x142: {  	[smem:$0x7A1] =	sst s13;
	s16 =	sadd.s32 s5, s30  }
0x143: {  	s5 =	sadd.s32 s10, s30;
	s10 =	sadd.s32 s14, s30;
	s14 =	sld [smem:$0x788]  }
0x144: {  	s13 =	sadd.s32 s23, s30;
	s23 =	sld [smem:$0x78D]  }
0x145: {  	[dreg:$0x10] =	wrdreg s8  }
0x146: {  	[smem:$0x7A3] =	sst s16  }
0x147: {  	[smem:$0x7A9] =	sst s5  }
0x148: {  	[smem:$0x7AE] =	sst s10  }
0x149: {  	[smem:$0x7B0] =	sst s13  }
0x14a: {  	s16 =	sld [smem:$0x789]  }
0x14b: {  	s5 =	sld [smem:$0x794]  }
0x14c: {  	s29 =	sshrl.u32 s12, $0x1;
	s10 =	sld [smem:$0x795]  }
0x14d: {  	s21 =	sshrl.u32 s21, $0x1;
	[smem:$0x7C5] =	sst s29  }
0x14e: {  	[smem:$0x7DC] =	sst s21  }
0x14f: {  	s8 =	sshrl.u32 s22, $0x1;
	s22 =	sadd.s32 s31, s30;
	s31 =	sadd.s32 s9, s30  }
0x150: {  	s9 =	sadd.s32 s27, s30;
	s27 =	sshrl.u32 s25, $0x1;
	s25 =	sld [smem:$0x798]  }
0x151: {  	s6 =	sshrl.u32 s14, $0x1;
	s14 =	sshrl.u32 s26, $0x1;
	s26 =	sld [smem:$0x799]  }
0x152: {  	s12 =	sshrl.u32 s23, $0x1;
	s23 =	sshrl.u32 s4, $0x1;
	s4 =	sld [smem:$0x79B]  }
0x153: {  	[dreg:$0x11] =	wrdreg s8  }
0x154: {  	[smem:$0x7A5] =	sst s22  }
0x155: {  	[smem:$0x7A7] =	sst s31  }
0x156: {  	[smem:$0x7AD] =	sst s9  }
0x157: {  	[smem:$0x7C6] =	sst s6  }
0x158: {  	s22 =	sld [smem:$0x78C]  }
0x159: {  	[smem:$0x7CD] =	sst s12  }
0x15a: {  	[smem:$0x7D0] =	sst s27  }
0x15b: {  	[smem:$0x7D1] =	sst s14  }
0x15c: {  	s8 =	sadd.s32 s28, s30;
	s28 =	sld [smem:$0x791]  }
0x15d: {  	[smem:$0x7D5] =	sst s23  }
0x15e: {  	s31 =	sshrl.u32 s16, $0x1;
	s9 =	sshrl.u32 s20, $0x1;
	s20 =	sld [smem:$0x796]  }
0x15f: {  	s16 =	sshrl.u32 s5, $0x1;
	s5 =	sadd.s32 s2, s30;
	s30 =	rddreg [dreg:$0xa]  }
0x160: {  	[smem:$0x7AC] =	sst s8  }
0x161: {  	[smem:$0x7C8] =	sst s31  }
0x162: {  	[smem:$0x7C9] =	sst s9  }
0x163: {  	[smem:$0x7D6] =	sst s16  }
0x164: {  	[smem:$0x7B2] =	sst s5  }
0x165: {  	s8 =	sshrl.u32 s24, $0x1;
	s5 =	rddreg [dreg:$0xc]  }
0x166: {  	s2 =	sadd.s32 s30, s0;
	[smem:$0x7CE] =	sst s8  }
0x167: {  	s1 =	sshrl.u32 s25, $0x1;
	v12 =	vld.idx.msk [tilespmem:v0+s2+$0x0 ss:$0x1], $0xffff;
	s2 =	rddreg [dreg:$0x11]  }
0x168: {  	[dreg:$0x14] =	wrdreg s1  }
0x169: {  	s11 =	sshrl.u32 s22, $0x1;
	s22 =	sshrl.u32 s3, $0x1;
	s3 =	sld [smem:$0x79A]  }
0x16a: {  	s13 =	sshrl.u32 s28, $0x1;
	s28 =	sshrl.u32 s10, $0x1;
	s10 =	sld [smem:$0x79C]  }
0x16b: {  	s1 =	sand.u32 $0xF0, s4;
	s4 =	sld [smem:$0x79D]  }
0x16c: {  	[smem:$0x7CC] =	sst s11  }
0x16d: {  	[smem:$0x7D2] =	sst s13  }
0x16e: {  	[smem:$0x7D4] =	sst s22  }
0x16f: {  	s24 =	sshrl.u32 s20, $0x1;
	[smem:$0x7D8] =	sst s28  }
0x170: {  	[smem:$0x7DA] =	sst s24  }
0x171: {  	s25 =	sshrl.u32 s26, $0x1;
	[dreg:$0x13] =	wrdreg s1  }
0x172: {  	s26 =	sshrl.u32 s3, $0x1;
	s20 =	sadd.s32 s30, s10;
	s10 =	rddreg [dreg:$0x12]  }
0x173: {  	s1 =	sadd.s32 s30, s4;
	s4 =	sadd.s32 s5, s0;
	[smem:$0x7DF] =	sst s26  }
0x174: {  	s5 =	sadd.s32 s10, s0;
	s10 =	sadd.s32 s18, s0;
	s18 =	rddreg [dreg:$0xe]  }
0x175: {  	v10 =	vld.idx.msk [tilespmem:v0+s20+$0x0 ss:$0x1], $0xffff;
	s20 =	rddreg [dreg:$0x10]  }
0x176: {  	v11 =	vld.idx.msk [tilespmem:v0+s1+$0x0 ss:$0x1], $0xffff;
	s1 =	sadd.s32 s2, s0;
	s2 =	sld [smem:$0x79E]  }
0x177: {  	v13 =	vld.idx.msk [tilespmem:v0+s4+$0x0 ss:$0x1], $0xffff;
	s4 =	sld [smem:$0x7A0]  }
0x178: {  	s3 =	sadd.s32 s18, s0;
	s18 =	rddreg [dreg:$0xf]  }
0x179: {  	v14 =	vld.idx.msk [tilespmem:v0+s5+$0x0 ss:$0x1], $0xffff;
	s5 =	sld [smem:$0x7A3]  }
0x17a: {  	v15 =	vld.idx.msk [tilespmem:v0+s10+$0x0 ss:$0x1], $0xffff;
	s10 =	sld [smem:$0x7AC]  }
0x17b: {  	v19 =	vld.idx.msk [tilespmem:v0+s1+$0x0 ss:$0x1], $0xffff;
	s1 =	rddreg [dreg:$0x15]  }
0x17c: {  	s20 =	sadd.s32 s20, s0;
	s18 =	sadd.s32 s18, s0;
	s0 =	sld [smem:$0x79F]  }
0x17d: {  	v17 =	vld.idx.msk [tilespmem:v0+s20+$0x0 ss:$0x1], $0xffff;
	s20 =	rddreg [dreg:$0x4]  }
0x17e: {  	v16 =	vld.idx.msk [tilespmem:v0+s3+$0x0 ss:$0x1], $0xffff;
	s3 =	sld [smem:$0x7B5]  }
0x17f: {  	v18 =	vld.idx.msk [tilespmem:v0+s18+$0x0 ss:$0x1], $0xffff;
	s18 =	sld [smem:$0x7B1]  }
0x180: {  	s5 =	sadd.s32 s11, s5;
	s11 =	sld [smem:$0x7A6]  }
0x181: {  	s2 =	sadd.s32 s29, s2;
	s29 =	sadd.s32 s6, s0;
	s6 =	sld [smem:$0x7A1]  }
0x182: {  	v1 =	vld.idx.msk [tilespmem:v0+s2+$0x0 ss:$0x1], $0xffff;
	s2 =	sld [smem:$0x7B4]  }
0x183: {  	v6 =	vld.idx.msk [tilespmem:v0+s5+$0x0 ss:$0x1], $0xffff;
	s5 =	rddreg [dreg:$0x18]  }
0x184: {  	s4 =	sadd.s32 s31, s4;
	s31 =	sadd.s32 s9, s6;
	s9 =	sld [smem:$0x7A2]  }
0x185: {  	s6 =	sld [smem:$0x7A4]  }
0x186: {  	v4 =	vld.idx.msk [tilespmem:v0+s31+$0x0 ss:$0x1], $0xffff;
	s31 =	sld [smem:$0x7BD]  }
0x187: {  	s9 =	sadd.s32 s7, s9;
	s7 =	sld [smem:$0x7A5]  }
0x188: {  	s0 =	sadd.s32 s12, s6;
	s12 =	sld [smem:$0x7A7]  }
0x189: {  	s6 =	sld [smem:$0x7A9]  }
0x18a: {  	[smem:$0x7BE] =	sst s0  }
0x18b: {  	v5 =	vld.idx.msk [tilespmem:v0+s9+$0x0 ss:$0x1], $0xffff;
	s9 =	sadd.s32 s31, s15;
	s31 =	rddreg [dreg:$0x1a]  }
0x18c: {  	v3 =	vld.idx.msk [tilespmem:v0+s4+$0x0 ss:$0x1], $0xffff;
	s4 =	sld [smem:$0x7BE]  }
0x18d: {  	s0 =	sadd.s32 s8, s7;
	s7 =	sld [smem:$0x7AA]  }
0x18e: {  	s8 =	sld [smem:$0x7AB]  }
0x18f: {  	[smem:$0x7BF] =	sst s0  }
0x190: {  	s0 =	sadd.s32 s27, s11;
	s11 =	sld [smem:$0x7AD]  }
0x191: {  	[smem:$0x7C1] =	sst s0  }
0x192: {  	s0 =	sadd.s32 s14, s12;
	s14 =	sld [smem:$0x7A8]  }
0x193: {  	s12 =	sld [smem:$0x7AE]  }
0x194: {  	v7 =	vld.idx.msk [tilespmem:v0+s4+$0x0 ss:$0x1], $0xffff;
	s4 =	sld [smem:$0x7C0]  }
0x195: {  	[smem:$0x7C3] =	sst s0  }
0x196: {  	s0 =	sadd.s32 s13, s14;
	s13 =	rddreg [dreg:$0x14]  }
0x197: {  	s14 =	sld [smem:$0x7AF]  }
0x198: {  	[smem:$0x7C4] =	sst s0  }
0x199: {  	s0 =	sadd.s32 s22, s6;
	s22 =	rddreg [dreg:$0x16]  }
0x19a: {  	s6 =	sld [smem:$0x7B6]  }
0x19b: {  	[smem:$0x7C7] =	sst s0  }
0x19c: {  	s0 =	sadd.s32 s23, s7;
	s23 =	rddreg [dreg:$0x13]  }
0x19d: {  	[smem:$0x7CB] =	sst s0  }
0x19e: {  	s0 =	sadd.s32 s16, s8;
	s16 =	sld [smem:$0x7B0]  }
0x19f: {  	[smem:$0x7CF] =	sst s0  }
0x1a0: {  	s0 =	sadd.s32 s28, s10;
	s28 =	sld [smem:$0x7B3]  }
0x1a1: {  	s10 =	sadd.s32 s22, s15;
	s22 =	sadd.s32 s3, s15;
	s3 =	rddreg [dreg:$0x1e]  }
0x1a2: {  	[smem:$0x7D3] =	sst s0  }
0x1a3: {  	s0 =	sadd.s32 s24, s11;
	s11 =	sadd.s32 s1, s15;
	s1 =	rddreg [dreg:$0x1c]  }
0x1a4: {  	[smem:$0x7D7] =	sst s0  }
0x1a5: {  	s0 =	sadd.s32 s21, s12;
	s12 =	sld [smem:$0x7B7]  }
0x1a6: {  	s10 =	sadd.s32 s30, s10;
	s21 =	sand.u32 $0x200, s20;
	s20 =	sld [smem:$0x7BA]  }
0x1a7: {  	[tilespmem:s10+$0x0] =	vst v10;
	s10 =	rddreg [dreg:$0xe]  }
0x1a8: {  	[smem:$0x7DB] =	sst s0  }
0x1a9: {  	s0 =	sadd.s32 s13, s14;
	s13 =	sld [smem:$0x7B8]  }
0x1aa: {  	s14 =	sld [smem:$0x7B9]  }
0x1ab: {  	s11 =	sadd.s32 s30, s11;
	s8 =	sadd.s32 s28, s15;
	s28 =	sld [smem:$0x7BC]  }
0x1ac: {  	[tilespmem:s11+$0x0] =	vst v11;
	s11 =	sld [smem:$0x7C5]  }
0x1ad: {  	[smem:$0x7DD] =	sst s0  }
0x1ae: {  	s24 =	smov.u32 s25;
	s0 =	sadd.s32 s25, s16;
	s25 =	sld [smem:$0x7B2]  }
0x1af: {  	[smem:$0x7E2] =	sst s0  }
0x1b0: {  	s0 =	sadd.s32 s26, s18;
	s26 =	sshrl.u32 s21, $0x1;
	s21 =	sld [smem:$0x7BB]  }
0x1b1: {  	s18 =	sadd.s32 s2, s15;
	s2 =	rddreg [dreg:$0x1d]  }
0x1b2: {  	[smem:$0x7E1] =	sst s0;
	s7 =	sadd.s32 s26, s15  }
0x1b3: {  	s16 =	sadd.s32 s13, s15;
	s26 =	sadd.s32 s20, s15;
	s20 =	rddreg [dreg:$0x19]  }
0x1b4: {  	s13 =	sadd.s32 s14, s15;
	s14 =	sadd.s32 s1, s15;
	s1 =	sld [smem:$0x7BF]  }
0x1b5: {  	v2 =	vld.idx.msk [tilespmem:v0+s29+$0x0 ss:$0x1], $0xffff;
	s29 =	sadd.s32 s28, s15;
	s28 =	sadd.s32 s2, s15;
	s2 =	rddreg [dreg:$0x17]  }
0x1b6: {  	s0 =	sadd.s32 s3, s15;
	s3 =	rddreg [dreg:$0x1b]  }
0x1b7: {  	s27 =	sadd.s32 s23, s25;
	s25 =	rddreg [dreg:$0x1f]  }
0x1b8: {  	s23 =	sadd.s32 s12, s15;
	[smem:$0x7D9] =	sst s0  }
0x1b9: {  	s0 =	sadd.s32 s31, s15;
	s31 =	sadd.s32 s2, s15;
	s2 =	sld [smem:$0x7C3]  }
0x1ba: {  	s10 =	sadd.s32 s10, s7;
	s12 =	sadd.s32 s25, s15;
	[smem:$0x7DE] =	sst s0  }
0x1bb: {  	s25 =	sadd.s32 s5, s15;
	s5 =	sadd.s32 s20, s15;
	s20 =	rddreg [dreg:$0xc]  }
0x1bc: {  	s0 =	sadd.s32 s3, s15;
	s3 =	sadd.s32 s30, s7;
	s30 =	rddreg [dreg:$0x12]  }
0x1bd: {  	[tilespmem:s10+$0x0] =	vst v16;
	s10 =	sld [smem:$0x7DC]  }
0x1be: {  	s6 =	sadd.s32 s6, s15;
	[smem:$0x7E0] =	sst s0  }
0x1bf: {  	s21 =	sadd.s32 s21, s15;
	s0 =	sadd.s32 s4, s15;
	s15 =	sld [smem:$0x7C1]  }
0x1c0: {  	v8 =	vld.idx.msk [tilespmem:v0+s1+$0x0 ss:$0x1], $0xffff;
	s1 =	sld [smem:$0x7C2]  }
0x1c1: {  	[smem:$0x7E3] =	sst s0  }
0x1c2: {  	v9 =	vld.idx.msk [tilespmem:v0+s15+$0x0 ss:$0x1], $0xffff;
	s15 =	rddreg [dreg:$0x10]  }
0x1c3: {  	s0 =	sadd.s32 s1, s7;
	s1 =	sadd.s32 s15, s7;
	s15 =	sld [smem:$0x7C4]  }
0x1c4: {  	s4 =	sadd.s32 s30, s7;
	s30 =	rddreg [dreg:$0xf]  }
0x1c5: {  	v10 =	vld.idx.msk [tilespmem:v0+s2+$0x0 ss:$0x1], $0xffff;
	s2 =	sadd.s32 s30, s7;
	s30 =	rddreg [dreg:$0x11]  }
0x1c6: {  	s20 =	sadd.s32 s20, s7;
	v11 =	vld.idx.msk [tilespmem:v0+s15+$0x0 ss:$0x1], $0xffff;
	s15 =	sld [smem:$0x7C6]  }
0x1c7: {  	[tilespmem:s20+$0x0] =	vst v13;
	s20 =	sld [smem:$0x7CA]  }
0x1c8: {  	[tilespmem:s3+$0x0] =	vst v12;
	s3 =	sadd.s32 s30, s7;
	s30 =	sld [smem:$0x7C8]  }
0x1c9: {  	s8 =	sadd.s32 s11, s8;
	s11 =	sadd.s32 s15, s18;
	s18 =	sld [smem:$0x7C7]  }
0x1ca: {  	s15 =	sld [smem:$0x7C9]  }
0x1cb: {  	[tilespmem:s3+$0x0] =	vst v19;
	s3 =	rddreg [dreg:$0x3]  }
0x1cc: {  	v12 =	vld.idx.msk [tilespmem:v0+s18+$0x0 ss:$0x1], $0xffff;
	s18 =	sadd.s32 s30, s22;
	s30 =	sld [smem:$0x7CB]  }
0x1cd: {  	s22 =	sadd.s32 s15, s6;
	s15 =	sld [smem:$0x7CC]  }
0x1ce: {  	s6 =	sadd.s32 s20, s23;
	s20 =	sld [smem:$0x7CD]  }
0x1cf: {  	s23 =	sld [smem:$0x7CE]  }
0x1d0: {  	v13 =	vld.idx.msk [tilespmem:v0+s30+$0x0 ss:$0x1], $0xffff;
	s30 =	sld [smem:$0x7CF]  }
0x1d1: {  	s7 =	sadd.s32 s20, s13;
	s13 =	sld [smem:$0x7D1]  }
0x1d2: {  	[tilespmem:s4+$0x0] =	vst v14;
	s4 =	sadd.s32 s15, s16;
	s15 =	sld [smem:$0x7D2]  }
0x1d3: {  	s16 =	sld [smem:$0x7D3]  }
0x1d4: {  	s20 =	sld [smem:$0x7D4]  }
0x1d5: {  	[dreg:$0x5] =	wrdreg s7  }
0x1d6: {  	s7 =	sadd.s32 s23, s26;
	s23 =	sld [smem:$0x7D6]  }
0x1d7: {  	s26 =	sld [smem:$0x7D7]  }
0x1d8: {  	[dreg:$0x6] =	wrdreg s7  }
0x1d9: {  	s7 =	sld [smem:$0x7D0]  }
0x1da: {  	v14 =	vld.idx.msk [tilespmem:v0+s30+$0x0 ss:$0x1], $0xffff;
	s30 =	sld [smem:$0x7D9]  }
0x1db: {  	[tilespmem:s0+$0x0] =	vst v15;
	v15 =	vld.idx.msk [tilespmem:v0+s16+$0x0 ss:$0x1], $0xffff;
	s16 =	sadd.s32 s23, s28;
	s28 =	sld [smem:$0x7D8]  }
0x1dc: {  	v16 =	vld.idx.msk [tilespmem:v0+s26+$0x0 ss:$0x1], $0xffff;
	s26 =	sld [smem:$0x7E0]  }
0x1dd: {  	s0 =	sadd.s32 s7, s21;
	s21 =	sld [smem:$0x7D5]  }
0x1de: {  	s7 =	sld [smem:$0x7DA]  }
0x1df: {  	[dreg:$0x7] =	wrdreg s0  }
0x1e0: {  	s0 =	sadd.s32 s13, s12;
	s13 =	sadd.s32 s20, s9;
	s9 =	sld [smem:$0x7DB]  }
0x1e1: {  	s12 =	sld [smem:$0x7DD]  }
0x1e2: {  	[dreg:$0x9] =	wrdreg s0  }
0x1e3: {  	s0 =	sadd.s32 s15, s29;
	s15 =	rddreg [dreg:$0x14]  }
0x1e4: {  	s29 =	sadd.s32 s21, s14;
	s21 =	sld [smem:$0x7DE]  }
0x1e5: {  	s23 =	sadd.s32 s10, s5;
	s20 =	sadd.s32 s28, s30;
	s28 =	sld [smem:$0x7E2]  }
.Ltmp3:
0x1e6: {  	s14 =	sadd.s32 s7, s25;
	s25 =	sld [smem:$0x7DF];
	(pc) =	sbr.rel @p0 .LBB1_4-.Ltmp3, $4  }
0x1e7: {  	s10 =	sadd.s32 s15, s21;
	s15 =	sadd.s32 s24, s31;
	s31 =	sld [smem:$0x7E3]  }
0x1e8: {  	[tilespmem:s1+$0x0] =	vst v17;
	s30 =	rddreg [dreg:$0x13];
	v17 =	vld.idx.msk [tilespmem:v0+s9+$0x0 ss:$0x1], $0xffff  }
0x1e9: {  	s19 =	sadd.s32 $0x200, s19;
	[tilespmem:s2+$0x0] =	vst v18;
	[dreg:$0x8] =	wrdreg s0;
	v18 =	vld.idx.msk [tilespmem:v0+s12+$0x0 ss:$0x1], $0xffff  }
0x1ea: {  	v19 =	vld.idx.msk [tilespmem:v0+s28+$0x0 ss:$0x1], $0xffff;
	s0 =	sadd.s32 s25, s26;
	s21 =	sld [smem:$0x7E1];
	s5 =	sadd.s32 s30, s31  }
0x1eb: {  	[tilespmem:s8+$0x0] =	vst v1  }
0x1ec: {  	[tilespmem:s11+$0x0] =	vst v2  }
0x1ed: {  	[tilespmem:s18+$0x0] =	vst v3  }
0x1ee: {  	[tilespmem:s22+$0x0] =	vst v4  }
0x1ef: {  	[tilespmem:s6+$0x0] =	vst v5  }
0x1f0: {  	[tilespmem:s4+$0x0] =	vst v6  }
0x1f1: {  	s2 =	rddreg [dreg:$0x5]  }
0x1f2: {  	[tilespmem:s2+$0x0] =	vst v7  }
0x1f3: {  	s2 =	rddreg [dreg:$0x6]  }
0x1f4: {  	[tilespmem:s2+$0x0] =	vst v8  }
0x1f5: {  	s2 =	rddreg [dreg:$0x7]  }
0x1f6: {  	[tilespmem:s2+$0x0] =	vst v9  }
0x1f7: {  	s1 =	rddreg [dreg:$0x9]  }
0x1f8: {  	[tilespmem:s1+$0x0] =	vst v10  }
0x1f9: {  	s2 =	rddreg [dreg:$0x8];
	[tilespmem:s13+$0x0] =	vst v12  }
0x1fa: {  	[tilespmem:s29+$0x0] =	vst v13  }
0x1fb: {  	[tilespmem:s16+$0x0] =	vst v14  }
0x1fc: {  	[tilespmem:s20+$0x0] =	vst v15  }
0x1fd: {  	[tilespmem:s14+$0x0] =	vst v16  }
0x1fe: {  	[tilespmem:s23+$0x0] =	vst v17  }
0x1ff: {  	[tilespmem:s10+$0x0] =	vst v18  }
0x200: {  	[tilespmem:s15+$0x0] =	vst v19  }
0x201: {  	[tilespmem:s2+$0x0] =	vst v11  }
0x202: {  	s2 =	sld [smem:$0x7E4];
	_ =	sdelay $0x2  }
0x203: {  	v62 =	vld.idx.msk [tilespmem:v0+s21+$0x0 ss:$0x1], $0xffff;
	s2 =	sadd.s32 $0x1, s2  }
0x204: {  	v63 =	vld.idx.msk [tilespmem:v0+s27+$0x0 ss:$0x1], $0xffff;
	p0 =	sne.s32 s2, $0x8  }
.Ltmp4:
0x205: {  	_ = 	snop;
	(pc) =	sbr.rel @p0 .LBB1_3-.Ltmp4, $3  }
0x206: {  	_ =	sdelay $0x1  }
0x207: {  	[tilespmem:s0+$0x0] =	vst v62  }
0x208: {  	[tilespmem:s5+$0x0] =	vst v63  }
0x209: {  	s0 =	sld [smem:$0x7F6]  }
0x20a: {  	s1 =	sld [smem:$0x7F7]  }
0x20b: {  	s2 =	sld [smem:$0x7FC]  }
0x20c: {  	s3 =	sld [smem:$0x7FB]  }
0x20d: {  	s4 =	rddreg [dreg:$0x0]  }
.Ltmp5:
0x20e: {  	s5 =	sld [smem:$0x7FD];
	(pc) =	sbr.rel .LBB1_7-.Ltmp5, $4  }
0x20f: {  	s30 =	simm.s32 $0x800;
	s6 =	sld [smem:$0x7FA];
	s0 =	sshll.u32 s0, $0x8  }
0x210: {  	s7 =	sld [smem:$0x7F9];
	s1 =	sshll.u32 s1, $0x11;
	s0 =	sadd.s32 s2, s0  }
0x211: {  	s31 =	simm.s32 $0x100000;
	s8 =	sld [smem:$0x7F8];
	s0 =	sadd.s32 s1, s0  }
0x212: {  	[hbm4b:s0+s30] =	stream.strided.scatter [tilespmem:s3], [sflag:$0x2], $0x4000, s31, s30, $0x38;
	[tilespmem:$0x10000] =	vst v63  }
.LBB1_8:
0x213: {  	_ =	sfence.sel $0x180000  }
0x214: {  	s0 =	simm.s32 $0x1;
	[bflag:$0x0] =	sbarrier.arrive $0xFFFF  }
0x215: {  	s30 =	simm.s32 $0x2;
	[sflag:s0] =	ssyncpa.u1 $0x1  }
0x216: {  	[sflag:s30] =	ssyncpa.u1 $0x1  }
0x217: {  	_ =	strace $0x90000047  }
0x218: {  	s31 =	stileid.u32;
	[bflag:$0x2] =	sbarrier.arrive $0xFFFF  }
0x219: {  	p0 =	sne.s32 s31, $0x0;
	s0 =	rddreg [dreg:$0x2]  }
0x21a: {  	s0 =	sadd.s32 @!p0 $0x100000, s0  }
0x21b: {  	[sflag:s0] =	ssyncadd.tile.s32 @!p0 $0x1;
	_ =	shalt  }
.Lfunc_end1:
_tile_overlayer_lowered:
.L_overlay_start_2:
0x21c: {  	(tag) =	ssettag $0x2  }
0x21d: {  	s0 =	rddreg [dreg:$0x0];
	s2 =	stileid.u32  }
0x21e: {  	s1 =	rddreg [dreg:$0x1];
	p0 =	sne.s32 s2, $0x0  }
0x21f: {  	s3 =	rddreg [dreg:$0x2];
	[bflag:$0x3] =	sbarrier.arrive $0xFFFF;
	s2 =	simm.s32 @!p0 $0x1C01  }
0x220: {  	[timem:s3], [sflag:s2] =	dma.local @!p0 [hbm:s0], s1  }
0x221: {  	s0 =	simm.s32 @!p0 $0x1  }
0x222: {  	_ =	swait.ge @!p0 [sflag:s0], s1  }
0x223: {  	s1 =	ssub.s32 @!p0 $0x0, s1;
	[sflag:s0] =	ssyncset.done @!p0 $0x0  }
0x224: {  	[sflag:s0] =	ssyncadd.s32 @!p0 s1  }
0x225: {  	[bflag:$0x3] =	sbarrier.arrive $0xFFFF  }
0x226: {  	_ =	shalt  }

</sc_bundles>
